<compile_context>
chip_gen: v7x
topology: tpu7x:2x2x1
jax: 0.10.2.dev20260603
libtpu: 0.0.44.dev20260713+nightly
codegen_flags: <defaults>
</compile_context>

<pallas_src>
import functools

import jax
import jax.numpy as jnp
import numpy as np
from jax.experimental import pallas as pl
from jax.experimental.pallas import tpu as pltpu

N = 10000
E = 320000
F = 128
G = 64

NP_ = 10240
BN = 512
NB_N = NP_ // BN
BE = 3200
NB_E = E // BE

_DEG_HIST = np.array([0.0, 100.0, 500.0, 2000.0, 4000.0, 2400.0, 800.0, 200.0], dtype=np.float64)
_b = np.arange(_DEG_HIST.shape[0], dtype=np.float64)
AVG_DEG_LOG = float((np.log(_b + 1.0) * _DEG_HIST).sum() / _DEG_HIST.sum())
NEG_BIG = -3.0e38



def _agg_kernel(src_hbm, dst_hbm, ea_ref, b3_ref, we_ref, cb_ref,
                add_ref, max_ref, c3_scr, s_smem, d_smem, sem1, sem2):
    k = pl.program_id(0)

    @pl.when(k == 0)
    def _():
        add_ref[...] = jnp.zeros_like(add_ref)
        max_ref[...] = jnp.full_like(max_ref, NEG_BIG)

    cp1 = pltpu.make_async_copy(src_hbm.at[pl.ds(k * BE, BE)], s_smem, sem1)
    cp1.start()
    cp2 = pltpu.make_async_copy(dst_hbm.at[pl.ds(k * BE, BE)], d_smem, sem2)
    cp2.start()
    c2 = jnp.dot(ea_ref[...], we_ref[...],
                 preferred_element_type=jnp.float32) + cb_ref[...]
    c3_scr[...] = c2.reshape(BE, 1, F)
    cp1.wait()
    cp2.wait()

    def body(e, carry):
        s = s_smem[e]
        d = d_smem[e]
        w = b3_ref[pl.ds(s, 1)] + c3_scr[pl.ds(e, 1)]
        addrow = jnp.concatenate([w, w * w, jnp.ones_like(w)], axis=2)
        maxrow = jnp.concatenate([w, -w], axis=2)
        add_ref[pl.ds(d, 1)] = add_ref[pl.ds(d, 1)] + addrow
        max_ref[pl.ds(d, 1)] = jnp.maximum(max_ref[pl.ds(d, 1)], maxrow)
        return carry

    jax.lax.fori_loop(0, BE, body, 0)


def _agg(src, dst, ea8, b3, we8, cbias):
    return pl.pallas_call(
        _agg_kernel,
        grid=(NB_E,),
        in_specs=[
            pl.BlockSpec(memory_space=pl.ANY),
            pl.BlockSpec(memory_space=pl.ANY),
            pl.BlockSpec((BE, 8), lambda k: (k, 0)),
            pl.BlockSpec((NP_, 1, F), lambda k: (0, 0, 0)),
            pl.BlockSpec((8, F), lambda k: (0, 0)),
            pl.BlockSpec((1, F), lambda k: (0, 0)),
        ],
        out_specs=[
            pl.BlockSpec((NP_, 1, 3 * F), lambda k: (0, 0, 0)),
            pl.BlockSpec((NP_, 1, 2 * F), lambda k: (0, 0, 0)),
        ],
        out_shape=[
            jax.ShapeDtypeStruct((NP_, 1, 3 * F), jnp.float32),
            jax.ShapeDtypeStruct((NP_, 1, 2 * F), jnp.float32),
        ],
        scratch_shapes=[
            pltpu.VMEM((BE, 1, F), jnp.float32),
            pltpu.SMEM((BE,), jnp.int32),
            pltpu.SMEM((BE,), jnp.int32),
            pltpu.SemaphoreType.DMA,
            pltpu.SemaphoreType.DMA,
        ],
    )(src, dst, ea8, b3, we8, cbias)



def _post_kernel(add_ref, max_ref, ab_ref, x_ref, pw_ref, pb_ref, lw_ref, lb_ref,
                 h_ref, st_ref):
    i = pl.program_id(0)
    add = add_ref[...]
    sum_bc = add[:, 0:F]
    sumsq_bc = add[:, F:2 * F]
    deg = add[:, 2 * F:3 * F]
    a = ab_ref[:, 0:F]
    mxw = max_ref[:, 0:F]
    mnw = max_ref[:, F:2 * F]
    deg_c = jnp.maximum(deg, 1.0)
    mean_bc = sum_bc / deg_c
    has = deg > 0.0
    mean = jnp.where(has, a + mean_bc, 0.0)
    std = jnp.sqrt(jax.nn.relu(sumsq_bc / deg_c - mean_bc * mean_bc) + 1e-5)
    mx = jnp.where(has, a + mxw, 0.0)
    mn = jnp.where(has, a - mnw, 0.0)
    amp = jnp.log(deg_c + 1.0) * (1.0 / AVG_DEG_LOG)
    inva = 1.0 / amp
    out13 = jnp.concatenate(
        [x_ref[...], mean, mn, mx, std,
         mean * amp, mn * amp, mx * amp, std * amp,
         mean * inva, mn * inva, mx * inva, std * inva], axis=1)
    h = jnp.dot(out13, pw_ref[...], preferred_element_type=jnp.float32) + pb_ref[...]
    h = jnp.dot(h, lw_ref[...], preferred_element_type=jnp.float32) + lb_ref[...]
    rid = jax.lax.broadcasted_iota(jnp.int32, (BN, F), 0) + i * BN
    h = jnp.where(rid < N, h, 0.0)
    h_ref[...] = h
    cs = jnp.sum(h, axis=0, keepdims=True)
    cs2 = jnp.sum(h * h, axis=0, keepdims=True)
    stat = jnp.concatenate([cs, cs2, jnp.zeros((6, F), jnp.float32)], axis=0)
    prev = jnp.where(i == 0, jnp.zeros_like(stat), st_ref[...])
    st_ref[...] = prev + stat


def _post(add_acc, max_acc, ab, x, p):
    return pl.pallas_call(
        _post_kernel,
        grid=(NB_N,),
        in_specs=[
            pl.BlockSpec((BN, 3 * F), lambda i: (i, 0)),
            pl.BlockSpec((BN, 2 * F), lambda i: (i, 0)),
            pl.BlockSpec((BN, 2 * F), lambda i: (i, 0)),
            pl.BlockSpec((BN, F), lambda i: (i, 0)),
            pl.BlockSpec((13 * F, F), lambda i: (0, 0)),
            pl.BlockSpec((1, F), lambda i: (0, 0)),
            pl.BlockSpec((F, F), lambda i: (0, 0)),
            pl.BlockSpec((1, F), lambda i: (0, 0)),
        ],
        out_specs=[
            pl.BlockSpec((BN, F), lambda i: (i, 0)),
            pl.BlockSpec((8, F), lambda i: (0, 0)),
        ],
        out_shape=[
            jax.ShapeDtypeStruct((NP_, F), jnp.float32),
            jax.ShapeDtypeStruct((8, F), jnp.float32),
        ],
    )(add_acc, max_acc, ab, x, p['post_W'], p['post_b'][None, :],
      p['lin_W'], p['lin_b'][None, :])



def _bnact_kernel(act, do_pool, do_max, hp_ref, sc_ref, sh_ref, w12_ref, batch_hbm,
                  *refs):
    if do_pool:
        if do_max:
            h_ref, ab_ref, ps_ref, pm_ref, h3_scr, b_smem, sem = refs
        else:
            h_ref, ab_ref, ps_ref, h3_scr, b_smem, sem = refs
    else:
        h_ref, ab_ref = refs[0], refs[1]
    i = pl.program_id(0)
    if do_pool:
        cp = pltpu.make_async_copy(batch_hbm.at[pl.ds(i * BN, BN)], b_smem, sem)
        cp.start()

        @pl.when(i == 0)
        def _():
            ps_ref[...] = jnp.zeros_like(ps_ref)
            if do_max:
                pm_ref[...] = jnp.zeros_like(pm_ref)

    h = hp_ref[...] * sc_ref[...] + sh_ref[...]
    if act:
        h = jax.nn.relu(h)
    rid = jax.lax.broadcasted_iota(jnp.int32, (BN, F), 0) + i * BN
    h = jnp.where(rid < N, h, 0.0)
    h_ref[...] = h
    ab_ref[...] = jnp.dot(h, w12_ref[...], preferred_element_type=jnp.float32)
    if do_pool:
        h3_scr[...] = h.reshape(BN, 1, F)
        cp.wait()

        def body(n, carry):
            g = b_smem[n]
            row = h3_scr[pl.ds(n, 1)]
            ps_ref[pl.ds(g, 1)] = ps_ref[pl.ds(g, 1)] + row
            if do_max:
                pm_ref[pl.ds(g, 1)] = jnp.maximum(pm_ref[pl.ds(g, 1)], row)
            return carry

        jax.lax.fori_loop(0, BN, body, 0)


def _bnact(hp, scale, shift, w12, batch_pad, act, do_pool, do_max):
    out_specs = [pl.BlockSpec((BN, F), lambda i: (i, 0)),
                 pl.BlockSpec((BN, 2 * F), lambda i: (i, 0))]
    out_shape = [jax.ShapeDtypeStruct((NP_, F), jnp.float32),
                 jax.ShapeDtypeStruct((NP_, 2 * F), jnp.float32)]
    scratch = []
    if do_pool:
        out_specs.append(pl.BlockSpec((G, 1, F), lambda i: (0, 0, 0)))
        out_shape.append(jax.ShapeDtypeStruct((G, 1, F), jnp.float32))
        if do_max:
            out_specs.append(pl.BlockSpec((G, 1, F), lambda i: (0, 0, 0)))
            out_shape.append(jax.ShapeDtypeStruct((G, 1, F), jnp.float32))
        scratch = [pltpu.VMEM((BN, 1, F), jnp.float32),
                   pltpu.SMEM((BN,), jnp.int32), pltpu.SemaphoreType.DMA]
    return pl.pallas_call(
        functools.partial(_bnact_kernel, act, do_pool, do_max),
        grid=(NB_N,),
        in_specs=[
            pl.BlockSpec((BN, F), lambda i: (i, 0)),
            pl.BlockSpec((1, F), lambda i: (0, 0)),
            pl.BlockSpec((1, F), lambda i: (0, 0)),
            pl.BlockSpec((F, 2 * F), lambda i: (0, 0)),
            pl.BlockSpec(memory_space=pl.ANY),
        ],
        out_specs=out_specs,
        out_shape=out_shape,
        scratch_shapes=scratch,
    )(hp, scale, shift, w12, batch_pad)



def _head_kernel(z_ref, e_ref, w1_ref, b1_ref, w2_ref, b2_ref, w3_ref, b3_ref,
                 w4_ref, b4_ref, o_ref):
    z = z_ref[...]
    z = jax.nn.relu(jnp.dot(z, w1_ref[...], preferred_element_type=jnp.float32) + b1_ref[...])
    z = jax.nn.relu(jnp.dot(z, w2_ref[...], preferred_element_type=jnp.float32) + b2_ref[...])
    z = jax.nn.relu(jnp.dot(z, w3_ref[...], preferred_element_type=jnp.float32) + e_ref[...] + b3_ref[...])
    o_ref[...] = jnp.dot(z, w4_ref[...], preferred_element_type=jnp.float32) + b4_ref[...]


def _head(z, intarna_energy, params):
    e_term = intarna_energy[:, None] * params['lin3_W'][-1][None, :]
    return pl.pallas_call(
        _head_kernel,
        out_shape=jax.ShapeDtypeStruct((G, 2), jnp.float32),
    )(z, e_term, params['lin1_W'], params['lin1_b'][None, :],
      params['lin2_W'], params['lin2_b'][None, :],
      params['lin3_W'][:-1], params['lin3_b'][None, :],
      params['lin4_W'], params['lin4_b'][None, :])



def kernel(x, edge_index, edge_attr, intarna_energy, batch, dropout_conv_1_2, dropout_conv_rest, params):
    src = edge_index[0]
    dst = edge_index[1]
    ea8 = jnp.pad(edge_attr, ((0, 0), (0, 4)))
    x_pad = jnp.pad(x, ((0, NP_ - N), (0, 0)))
    batch_pad = jnp.pad(batch, (0, NP_ - N), constant_values=G - 1)
    cnt_g = jax.ops.segment_sum(jnp.ones((N,), jnp.float32), batch, num_segments=G)

    convs = params['convs']

    def layer_mats(p):
        w12 = jnp.concatenate([p['pre_W'][0:F], p['pre_W'][F:2 * F]], axis=1)
        we8 = jnp.pad(p['edge_W'] @ p['pre_W'][2 * F:3 * F], ((0, 4), (0, 0)))
        cbias = (p['edge_b'] @ p['pre_W'][2 * F:3 * F] + p['pre_b'])[None, :]
        return w12, we8, cbias

    ones_sc = jnp.ones((1, F), jnp.float32)
    zeros_sc = jnp.zeros((1, F), jnp.float32)

    w12, we8, cbias = layer_mats(convs[0])
    h, ab = _bnact(x_pad, ones_sc, zeros_sc, w12, batch_pad, False, False, False)

    pools = []
    pool6 = None
    for i in range(6):
        p = convs[i]
        b3 = ab[:, F:].reshape(NP_, 1, F)
        add3, max3 = _agg(src, dst, ea8, b3, we8, cbias)
        add_acc = add3.reshape(NP_, 3 * F)
        max_acc = max3.reshape(NP_, 2 * F)
        h_pre, stats = _post(add_acc, max_acc, ab, h, p)
        mu = stats[0:1] / N
        var = stats[1:2] / N - mu * mu
        scale = p['bn_gamma'][None, :] / jnp.sqrt(var + 1e-5)
        shift = p['bn_beta'][None, :] - mu * scale
        if i < 5:
            w12, we8, cbias = layer_mats(convs[i + 1])
            h, ab, psum = _bnact(h_pre, scale, shift, w12, batch_pad, True, True, False)
            pools.append(psum.reshape(G, F))
        else:
            h, ab, psum, pmax = _bnact(h_pre, scale, shift, w12, batch_pad, True, True, True)
            psum = psum.reshape(G, F)
            pmax = pmax.reshape(G, F)
            pmean = psum / jnp.clip(cnt_g, 1.0, None)[:, None]
            pool6 = (psum, pmax, pmean)

    z = jnp.concatenate(pools + list(pool6), axis=1)
    return _head(z, intarna_energy, params)

# --- scband reference (transcript-rebuilt; emitter-appended) ---
"""Pipeline reference for scband-pnanet6-l-21251498181121 (READ-ONLY COPY).

The authoritative reference and input builder live on the scoring server;
editing this copy changes nothing except your own understanding.
"""

import jax, jax.numpy as jnp
import numpy as np

N = 10000
E = 320000
F = 128
G = 64
EDGE_DIM = 4

DEG_HIST = np.array([0.0, 100.0, 500.0, 2000.0, 4000.0, 2400.0, 800.0, 200.0], dtype=np.float64)
_bins = np.arange(DEG_HIST.shape[0], dtype=np.float64)
AVG_DEG_LOG = float((np.log(_bins + 1.0) * DEG_HIST).sum() / DEG_HIST.sum())


def _glorot(key, shape):
    lim = float(np.sqrt(6.0 / (shape[0] + shape[1])))
    return jax.random.uniform(key, shape, jnp.float32, -lim, lim)


def _make_layer_params(key):
    k = jax.random.split(key, 4)
    return {
        'edge_W': _glorot(k[0], (EDGE_DIM, F)), 'edge_b': jnp.zeros((F,), jnp.float32),
        'pre_W': _glorot(k[1], (3 * F, F)), 'pre_b': jnp.zeros((F,), jnp.float32),
        'post_W': _glorot(k[2], (13 * F, F)), 'post_b': jnp.zeros((F,), jnp.float32),
        'lin_W': _glorot(k[3], (F, F)), 'lin_b': jnp.zeros((F,), jnp.float32),
        'bn_gamma': jnp.ones((F,), jnp.float32), 'bn_beta': jnp.zeros((F,), jnp.float32),
    }


def setup_inputs(seed: int = 0):
    key = jax.random.key(seed)
    ks = jax.random.split(key, 16)
    x = jax.random.normal(ks[0], (N, F), jnp.float32)
    edge_index = jax.random.randint(ks[1], (2, E), 0, N, jnp.int32)
    edge_attr = jax.random.normal(ks[2], (E, EDGE_DIM), jnp.float32)
    intarna_energy = jax.random.normal(ks[3], (G,), jnp.float32)
    batch = jnp.sort(jax.random.randint(ks[4], (N,), 0, G, jnp.int32))
    layer_keys = jax.random.split(ks[5], 6)
    params = {'convs': [_make_layer_params(layer_keys[i]) for i in range(6)]}
    hk = jax.random.split(ks[6], 4)
    params['lin1_W'] = _glorot(hk[0], (8 * F, 896)); params['lin1_b'] = jnp.zeros((896,), jnp.float32)
    params['lin2_W'] = _glorot(hk[1], (896, 384)); params['lin2_b'] = jnp.zeros((384,), jnp.float32)
    params['lin3_W'] = _glorot(hk[2], (384 + 1, 64)); params['lin3_b'] = jnp.zeros((64,), jnp.float32)
    params['lin4_W'] = _glorot(hk[3], (64, 2)); params['lin4_b'] = jnp.zeros((2,), jnp.float32)
    return {'x': x, 'edge_index': edge_index, 'edge_attr': edge_attr,
            'intarna_energy': intarna_energy, 'batch': batch,
            'dropout_conv_1_2': 0, 'dropout_conv_rest': 0, 'params': params}


def _pna_conv(x, edge_index, edge_attr, p):
    src = edge_index[0]
    dst = edge_index[1]
    e = edge_attr @ p['edge_W'] + p['edge_b']
    h = jnp.concatenate([x[dst], x[src], e], axis=-1)  # [x_i, x_j, edge]
    m = h @ p['pre_W'] + p['pre_b']
    deg = jax.ops.segment_sum(jnp.ones((m.shape[0],), m.dtype), dst, num_segments=N)
    deg_c = jnp.clip(deg, 1.0, None)[:, None]
    mean = jax.ops.segment_sum(m, dst, num_segments=N) / deg_c
    sq_mean = jax.ops.segment_sum(m * m, dst, num_segments=N) / deg_c
    std = jnp.sqrt(jax.nn.relu(sq_mean - mean * mean) + 1e-5)
    has = (deg > 0)[:, None]
    mx = jnp.where(has, jax.ops.segment_max(m, dst, num_segments=N), 0.0)
    mn = jnp.where(has, -jax.ops.segment_max(-m, dst, num_segments=N), 0.0)
    agg = jnp.concatenate([mean, mn, mx, std], axis=-1)  # aggr order: mean, min, max, std
    amp = jnp.log(jnp.clip(deg, 1.0, None) + 1.0)[:, None] / AVG_DEG_LOG
    out = jnp.concatenate([agg, agg * amp, agg / amp], axis=-1)  # identity, amplification, attenuation
    out = jnp.concatenate([x, out], axis=-1)
    out = out @ p['post_W'] + p['post_b']
    return out @ p['lin_W'] + p['lin_b']


def _bn(x, g, b):
    mu = x.mean(axis=0)
    var = x.var(axis=0)
    return (x - mu) / jnp.sqrt(var + 1e-5) * g + b


def _pools(x, batch):
    s = jax.ops.segment_sum(x, batch, num_segments=G)
    cnt = jax.ops.segment_sum(jnp.ones((x.shape[0],), x.dtype), batch, num_segments=G)
    has = (cnt > 0)[:, None]
    mx = jnp.where(has, jax.ops.segment_max(x, batch, num_segments=G), 0.0)
    mean = s / jnp.clip(cnt, 1.0, None)[:, None]
    return s, mx, mean


def _forward(x, edge_attr, intarna_energy, params, edge_index, batch):
    h = x
    xs = []
    for i in range(6):
        p = params['convs'][i]
        h = _pna_conv(h, edge_index, edge_attr, p)
        h = _bn(h, p['bn_gamma'], p['bn_beta'])
        h = jax.nn.relu(h)
        if i < 5:
            s, _, _ = _pools(h, batch)
            xs.append(s)
    s, mx, mean = _pools(h, batch)
    xs.extend([s, mx, mean])
    z = jnp.concatenate(xs, axis=1)  # [G, 8*F]
    z = jax.nn.relu(z @ params['lin1_W'] + params['lin1_b'])
    z = jax.nn.relu(z @ params['lin2_W'] + params['lin2_b'])
    z = jnp.concatenate([z, intarna_energy.reshape(-1, 1)], axis=1)
    z = jax.nn.relu(z @ params['lin3_W'] + params['lin3_b'])
    return z @ params['lin4_W'] + params['lin4_b']


def reference(x, edge_index, edge_attr, intarna_energy, batch, dropout_conv_1_2, dropout_conv_rest, params):
    # dropout_adj and Dropout layers are identity at p=0 / eval time
    return _forward(x, edge_attr, intarna_energy, params, edge_index, batch)

if __name__ == "__main__":
    import jax
    _d = setup_inputs()
    print(jax.jit(kernel)(*tuple(_d.values())))

</pallas_src>

<mosaic_0001>
module attributes {stable_mosaic.version = 14 : i64} {
  func.func @_bnact_kernel(%arg0: i32, %arg1: memref<512x128xf32, #tpu.memory_space<vmem>>, %arg2: memref<1x128xf32, #tpu.memory_space<vmem>>, %arg3: memref<1x128xf32, #tpu.memory_space<vmem>>, %arg4: memref<128x256xf32, #tpu.memory_space<vmem>>, %arg5: memref<10240xi32, #tpu.memory_space<any>>, %arg6: memref<512x128xf32, #tpu.memory_space<vmem>>, %arg7: memref<512x256xf32, #tpu.memory_space<vmem>>) attributes {dimension_semantics = [#tpu.dimension_semantics<arbitrary>], iteration_bounds = array<i64: 20>, scalar_prefetch = 0 : i64, scratch_operands = 0 : i64, tpu.core_type = #tpu.core_type<tc>, window_params = [{transform_indices = @transform_0, window_bounds = array<i64: 512, 128>}, {pipeline_mode = #tpu.pipeline_mode<synchronous>, transform_indices = @transform_1, window_bounds = array<i64: 1, 128>}, {pipeline_mode = #tpu.pipeline_mode<synchronous>, transform_indices = @transform_2, window_bounds = array<i64: 1, 128>}, {pipeline_mode = #tpu.pipeline_mode<synchronous>, transform_indices = @transform_3, window_bounds = array<i64: 128, 256>}, {}, {transform_indices = @transform_5, window_bounds = array<i64: 512, 128>}, {transform_indices = @transform_6, window_bounds = array<i64: 512, 256>}]} {
    %get3A = arith.constant 0 : index
    %get3A_0 = arith.constant 0 : index
    %get3A_1 = vector.load %arg1[%get3A, %get3A_0] : memref<512x128xf32, #tpu.memory_space<vmem>>, vector<512x128xf32>
    %get3A_2 = arith.constant 0 : index
    %get3A_3 = arith.constant 0 : index
    %get3A_4 = vector.load %arg2[%get3A_2, %get3A_3] : memref<1x128xf32, #tpu.memory_space<vmem>>, vector<1x128xf32>
    %mul3A = vector.broadcast %get3A_4 : vector<1x128xf32> to vector<512x128xf32>
    %mul3A_5 = arith.mulf %get3A_1, %mul3A : vector<512x128xf32>
    %get3A_6 = arith.constant 0 : index
    %get3A_7 = arith.constant 0 : index
    %get3A_8 = vector.load %arg3[%get3A_6, %get3A_7] : memref<1x128xf32, #tpu.memory_space<vmem>>, vector<1x128xf32>
    %add3A = vector.broadcast %get3A_8 : vector<1x128xf32> to vector<512x128xf32>
    %add3A_9 = arith.addf %mul3A_5, %add3A : vector<512x128xf32>
    %iota3A = tpu.iota {dimensions = array<i32: 0>} : vector<512x128xi32>
    %mul3A_10 = arith.constant 512 : i32
    %mul3A_11 = arith.muli %arg0, %mul3A_10 : i32
    %add3A_12 = vector.broadcast %mul3A_11 : i32 to vector<512x128xi32>
    %add3A_13 = arith.addi %iota3A, %add3A_12 : vector<512x128xi32>
    %lt3A = arith.constant 10000 : i32
    %lt3A_14 = vector.broadcast %lt3A : i32 to vector<512x128xi32>
    %lt3A_15 = arith.cmpi slt, %add3A_13, %lt3A_14 : vector<512x128xi32>
    %jit3A = arith.constant 0.000000e+00 : f32
    %broadcast_in_dim3A = vector.broadcast %jit3A : f32 to vector<512x128xf32>
    %select_n3A = arith.select %lt3A_15, %add3A_9, %broadcast_in_dim3A : vector<512x128xi1>, vector<512x128xf32>
    %swap3A = arith.constant 0 : index
    %swap3A_16 = arith.constant 0 : index
    %swap3A_17 = vector.load %arg6[%swap3A, %swap3A_16] : memref<512x128xf32, #tpu.memory_space<vmem>>, vector<512x128xf32>
    tpu.vector_store %arg6[%swap3A, %swap3A_16], %select_n3A {strides = array<i32>} : memref<512x128xf32, #tpu.memory_space<vmem>>, vector<512x128xf32>,
    %get3A_18 = arith.constant 0 : index
    %get3A_19 = arith.constant 0 : index
    %get3A_20 = vector.load %arg4[%get3A_18, %get3A_19] : memref<128x256xf32, #tpu.memory_space<vmem>>, vector<128x256xf32>
    %dot_general3A = arith.constant dense<0.000000e+00> : vector<512x256xf32>
    %dot_general3A_21 = tpu.matmul %select_n3A, %get3A_20, %dot_general3A {dimension_numbers = #tpu.dot_dimension_numbers<[1], [0], [0], [1], [0, 0, 1, 1], [], []>, transpose_lhs_hint = false} : vector<512x128xf32>, vector<128x256xf32>, vector<512x256xf32> -> vector<512x256xf32>
    %swap3A_22 = arith.constant 0 : index
    %swap3A_23 = arith.constant 0 : index
    %swap3A_24 = vector.load %arg7[%swap3A_22, %swap3A_23] : memref<512x256xf32, #tpu.memory_space<vmem>>, vector<512x256xf32>
    tpu.vector_store %arg7[%swap3A_22, %swap3A_23], %dot_general3A_21 {strides = array<i32>} : memref<512x256xf32, #tpu.memory_space<vmem>>, vector<512x256xf32>,
    return
  }
  func.func @transform_0(%arg0: i32) -> (i32, i32) {
    %c0_i32 = arith.constant 0 : i32
    %c0_i32_0 = arith.constant 0 : i32
    return %arg0, %c0_i32 : i32, i32
  }
  func.func @transform_1(%arg0: i32) -> (i32, i32) {
    %c0_i32 = arith.constant 0 : i32
    %c0_i32_0 = arith.constant 0 : i32
    %c0_i32_1 = arith.constant 0 : i32
    return %c0_i32, %c0_i32_0 : i32, i32
  }
  func.func @transform_2(%arg0: i32) -> (i32, i32) {
    %c0_i32 = arith.constant 0 : i32
    %c0_i32_0 = arith.constant 0 : i32
    %c0_i32_1 = arith.constant 0 : i32
    return %c0_i32, %c0_i32_0 : i32, i32
  }
  func.func @transform_3(%arg0: i32) -> (i32, i32) {
    %c0_i32 = arith.constant 0 : i32
    %c0_i32_0 = arith.constant 0 : i32
    %c0_i32_1 = arith.constant 0 : i32
    return %c0_i32, %c0_i32_0 : i32, i32
  }
  func.func @transform_5(%arg0: i32) -> (i32, i32) {
    %c0_i32 = arith.constant 0 : i32
    %c0_i32_0 = arith.constant 0 : i32
    return %arg0, %c0_i32 : i32, i32
  }
  func.func @transform_6(%arg0: i32) -> (i32, i32) {
    %c0_i32 = arith.constant 0 : i32
    %c0_i32_0 = arith.constant 0 : i32
    return %arg0, %c0_i32 : i32, i32
  }
}

module attributes {stable_mosaic.version = 14 : i64} {
  func.func @_agg_kernel(%arg0: i32, %arg1: memref<320000xi32, #tpu.memory_space<any>>, %arg2: memref<320000xi32, #tpu.memory_space<any>>, %arg3: memref<3200x8xf32, #tpu.memory_space<vmem>>, %arg4: memref<10240x1x128xf32, #tpu.memory_space<vmem>>, %arg5: memref<8x128xf32, #tpu.memory_space<vmem>>, %arg6: memref<1x128xf32, #tpu.memory_space<vmem>>, %arg7: memref<10240x1x384xf32, #tpu.memory_space<vmem>>, %arg8: memref<10240x1x256xf32, #tpu.memory_space<vmem>>, %arg9: memref<3200x1x128xf32, #tpu.memory_space<vmem>>, %arg10: memref<3200xi32, #tpu.memory_space<smem>>, %arg11: memref<3200xi32, #tpu.memory_space<smem>>, %arg12: memref<!tpu.dma_semaphore, #tpu.memory_space<semaphore_mem>>, %arg13: memref<!tpu.dma_semaphore, #tpu.memory_space<semaphore_mem>>) attributes {dimension_semantics = [#tpu.dimension_semantics<arbitrary>], iteration_bounds = array<i64: 100>, scalar_prefetch = 0 : i64, scratch_operands = 5 : i64, tpu.core_type = #tpu.core_type<tc>, window_params = [{}, {}, {transform_indices = @transform_2, window_bounds = array<i64: 3200, 8>}, {pipeline_mode = #tpu.pipeline_mode<synchronous>, transform_indices = @transform_3, window_bounds = array<i64: 10240, 1, 128>}, {pipeline_mode = #tpu.pipeline_mode<synchronous>, transform_indices = @transform_4, window_bounds = array<i64: 8, 128>}, {pipeline_mode = #tpu.pipeline_mode<synchronous>, transform_indices = @transform_5, window_bounds = array<i64: 1, 128>}, {pipeline_mode = #tpu.pipeline_mode<synchronous>, transform_indices = @transform_6, window_bounds = array<i64: 10240, 1, 384>}, {pipeline_mode = #tpu.pipeline_mode<synchronous>, transform_indices = @transform_7, window_bounds = array<i64: 10240, 1, 256>}]} {
    %eq3A = arith.constant 0 : i32
    %eq3A_0 = arith.cmpi eq, %arg0, %eq3A : i32
    %convert_element_type3A = arith.extui %eq3A_0 : i1 to i32
    %cond3A = arith.constant 0 : i32
    %cond3A_1 = arith.cmpi ne, %convert_element_type3A, %cond3A : i32
    scf.if %cond3A_1 {
      %broadcast_in_dim3A = arith.constant 0.000000e+00 : f32
      %broadcast_in_dim3A_24 = vector.broadcast %broadcast_in_dim3A : f32 to vector<10240x1x384xf32>
      %swap3A_25 = arith.constant 0 : index
      %swap3A_26 = arith.constant 0 : index
      %swap3A_27 = arith.constant 0 : index
      %swap3A_28 = vector.load %arg7[%swap3A_25, %swap3A_26, %swap3A_27] : memref<10240x1x384xf32, #tpu.memory_space<vmem>>, vector<10240x1x384xf32>
      tpu.vector_store %arg7[%swap3A_25, %swap3A_26, %swap3A_27], %broadcast_in_dim3A_24 {strides = array<i32>} : memref<10240x1x384xf32, #tpu.memory_space<vmem>>, vector<10240x1x384xf32>,
      %broadcast_in_dim3A_29 = arith.constant -3.000000e+38 : f32
      %broadcast_in_dim3A_30 = vector.broadcast %broadcast_in_dim3A_29 : f32 to vector<10240x1x256xf32>
      %swap3A_31 = arith.constant 0 : index
      %swap3A_32 = arith.constant 0 : index
      %swap3A_33 = arith.constant 0 : index
      %swap3A_34 = vector.load %arg8[%swap3A_31, %swap3A_32, %swap3A_33] : memref<10240x1x256xf32, #tpu.memory_space<vmem>>, vector<10240x1x256xf32>
      tpu.vector_store %arg8[%swap3A_31, %swap3A_32, %swap3A_33], %broadcast_in_dim3A_30 {strides = array<i32>} : memref<10240x1x256xf32, #tpu.memory_space<vmem>>, vector<10240x1x256xf32>,
    } else {
    }
    %mul3A = arith.constant 3200 : i32
    %mul3A_2 = arith.muli %arg0, %mul3A : i32
    %dma_start3A = tpu.memref_slice %arg1[%mul3A_2] : memref<320000xi32, #tpu.memory_space<any>> -> memref<3200xi32, #tpu.memory_space<any>>
    tpu.enqueue_dma source(%dma_start3A : memref<3200xi32, #tpu.memory_space<any>>) target(%arg10 : memref<3200xi32, #tpu.memory_space<smem>>) target_semaphore(%arg12 : memref<!tpu.dma_semaphore, #tpu.memory_space<semaphore_mem>>)
    %mul3A_3 = arith.constant 3200 : i32
    %mul3A_4 = arith.muli %arg0, %mul3A_3 : i32
    %dma_start3A_5 = tpu.memref_slice %arg2[%mul3A_4] : memref<320000xi32, #tpu.memory_space<any>> -> memref<3200xi32, #tpu.memory_space<any>>
    tpu.enqueue_dma source(%dma_start3A_5 : memref<3200xi32, #tpu.memory_space<any>>) target(%arg11 : memref<3200xi32, #tpu.memory_space<smem>>) target_semaphore(%arg13 : memref<!tpu.dma_semaphore, #tpu.memory_space<semaphore_mem>>)
    %get3A = arith.constant 0 : index
    %get3A_6 = arith.constant 0 : index
    %get3A_7 = vector.load %arg3[%get3A, %get3A_6] : memref<3200x8xf32, #tpu.memory_space<vmem>>, vector<3200x8xf32>
    %get3A_8 = arith.constant 0 : index
    %get3A_9 = arith.constant 0 : index
    %get3A_10 = vector.load %arg5[%get3A_8, %get3A_9] : memref<8x128xf32, #tpu.memory_space<vmem>>, vector<8x128xf32>
    %dot_general3A = arith.constant dense<0.000000e+00> : vector<3200x128xf32>
    %dot_general3A_11 = tpu.matmul %get3A_7, %get3A_10, %dot_general3A {dimension_numbers = #tpu.dot_dimension_numbers<[1], [0], [0], [1], [0, 0, 1, 1], [], []>, transpose_lhs_hint = false} : vector<3200x8xf32>, vector<8x128xf32>, vector<3200x128xf32> -> vector<3200x128xf32>
    %get3A_12 = arith.constant 0 : index
    %get3A_13 = arith.constant 0 : index
    %get3A_14 = vector.load %arg6[%get3A_12, %get3A_13] : memref<1x128xf32, #tpu.memory_space<vmem>>, vector<1x128xf32>
    %add3A = vector.broadcast %get3A_14 : vector<1x128xf32> to vector<3200x128xf32>
    %add3A_15 = arith.addf %dot_general3A_11, %add3A : vector<3200x128xf32>
    %reshape3A = vector.shape_cast %add3A_15 : vector<3200x128xf32> to vector<3200x1x128xf32>
    %swap3A = arith.constant 0 : index
    %swap3A_16 = arith.constant 0 : index
    %swap3A_17 = arith.constant 0 : index
    %swap3A_18 = vector.load %arg9[%swap3A, %swap3A_16, %swap3A_17] : memref<3200x1x128xf32, #tpu.memory_space<vmem>>, vector<3200x1x128xf32>
    tpu.vector_store %arg9[%swap3A, %swap3A_16, %swap3A_17], %reshape3A {strides = array<i32>} : memref<3200x1x128xf32, #tpu.memory_space<vmem>>, vector<3200x1x128xf32>,
    %dma_wait3A = tpu.memref_slice %arg1[%mul3A_2] : memref<320000xi32, #tpu.memory_space<any>> -> memref<3200xi32, #tpu.memory_space<any>>
    tpu.wait_dma2 semaphore(%arg12 : memref<!tpu.dma_semaphore, #tpu.memory_space<semaphore_mem>>) src(%dma_wait3A : memref<3200xi32, #tpu.memory_space<any>>) dst(%arg10 : memref<3200xi32, #tpu.memory_space<smem>>)
    %dma_wait3A_19 = tpu.memref_slice %arg2[%mul3A_4] : memref<320000xi32, #tpu.memory_space<any>> -> memref<3200xi32, #tpu.memory_space<any>>
    tpu.wait_dma2 semaphore(%arg13 : memref<!tpu.dma_semaphore, #tpu.memory_space<semaphore_mem>>) src(%dma_wait3A_19 : memref<3200xi32, #tpu.memory_space<any>>) dst(%arg11 : memref<3200xi32, #tpu.memory_space<smem>>)
    %scan3A = arith.constant 0 : i32
    %scan3A_20 = arith.constant 3200 : i32
    %scan3A_21 = arith.addi %scan3A, %scan3A_20 : i32
    %scan3A_22 = arith.constant 1 : i32
    scf.for %scan3A_24 = %scan3A to %scan3A_21 step %scan3A_22  : i32 {
      %get3A_25 = arith.index_cast %scan3A_24 : i32 to index
      %get3A_26 = memref.load %arg10[%get3A_25] : memref<3200xi32, #tpu.memory_space<smem>>
      %get3A_27 = arith.index_cast %scan3A_24 : i32 to index
      %get3A_28 = memref.load %arg11[%get3A_27] : memref<3200xi32, #tpu.memory_space<smem>>
      %get3A_29 = arith.index_cast %get3A_26 : i32 to index
      %get3A_30 = arith.constant 0 : index
      %get3A_31 = arith.constant 0 : index
      %get3A_32 = vector.load %arg4[%get3A_29, %get3A_30, %get3A_31] : memref<10240x1x128xf32, #tpu.memory_space<vmem>>, vector<1x1x128xf32>
      %get3A_33 = arith.index_cast %scan3A_24 : i32 to index
      %get3A_34 = arith.constant 0 : index
      %get3A_35 = arith.constant 0 : index
      %get3A_36 = vector.load %arg9[%get3A_33, %get3A_34, %get3A_35] : memref<3200x1x128xf32, #tpu.memory_space<vmem>>, vector<1x1x128xf32>
      %add3A_37 = arith.addf %get3A_32, %get3A_36 : vector<1x1x128xf32>
      %mul3A_38 = arith.mulf %add3A_37, %add3A_37 : vector<1x1x128xf32>
      %broadcast_in_dim3A = arith.constant 1.000000e+00 : f32
      %broadcast_in_dim3A_39 = vector.broadcast %broadcast_in_dim3A : f32 to vector<1x1x128xf32>
      %concatenate3A = tpu.concatenate %add3A_37, %mul3A_38, %broadcast_in_dim3A_39 in 2 : vector<1x1x128xf32>, vector<1x1x128xf32>, vector<1x1x128xf32> -> vector<1x1x384xf32>
      %neg3A = arith.constant 0.000000e+00 : f32
      %neg3A_40 = vector.broadcast %neg3A : f32 to vector<1x1x128xf32>
      %neg3A_41 = arith.subf %neg3A_40, %add3A_37 : vector<1x1x128xf32>
      %concatenate3A_42 = tpu.concatenate %add3A_37, %neg3A_41 in 2 : vector<1x1x128xf32>, vector<1x1x128xf32> -> vector<1x1x256xf32>
      %get3A_43 = arith.index_cast %get3A_28 : i32 to index
      %get3A_44 = arith.constant 0 : index
      %get3A_45 = arith.constant 0 : index
      %get3A_46 = vector.load %arg7[%get3A_43, %get3A_44, %get3A_45] : memref<10240x1x384xf32, #tpu.memory_space<vmem>>, vector<1x1x384xf32>
      %add3A_47 = arith.addf %get3A_46, %concatenate3A : vector<1x1x384xf32>
      %swap3A_48 = arith.index_cast %get3A_28 : i32 to index
      %swap3A_49 = arith.constant 0 : index
      %swap3A_50 = arith.constant 0 : index
      %swap3A_51 = vector.load %arg7[%swap3A_48, %swap3A_49, %swap3A_50] : memref<10240x1x384xf32, #tpu.memory_space<vmem>>, vector<1x1x384xf32>
      tpu.vector_store %arg7[%swap3A_48, %swap3A_49, %swap3A_50], %add3A_47 {strides = array<i32>} : memref<10240x1x384xf32, #tpu.memory_space<vmem>>, vector<1x1x384xf32>,
      %get3A_52 = arith.index_cast %get3A_28 : i32 to index
      %get3A_53 = arith.constant 0 : index
      %get3A_54 = arith.constant 0 : index
      %get3A_55 = vector.load %arg8[%get3A_52, %get3A_53, %get3A_54] : memref<10240x1x256xf32, #tpu.memory_space<vmem>>, vector<1x1x256xf32>
      %max3A = arith.maximumf %get3A_55, %concatenate3A_42 : vector<1x1x256xf32>
      %swap3A_56 = arith.index_cast %get3A_28 : i32 to index
      %swap3A_57 = arith.constant 0 : index
      %swap3A_58 = arith.constant 0 : index
      %swap3A_59 = vector.load %arg8[%swap3A_56, %swap3A_57, %swap3A_58] : memref<10240x1x256xf32, #tpu.memory_space<vmem>>, vector<1x1x256xf32>
      tpu.vector_store %arg8[%swap3A_56, %swap3A_57, %swap3A_58], %max3A {strides = array<i32>} : memref<10240x1x256xf32, #tpu.memory_space<vmem>>, vector<1x1x256xf32>,
    }
    %scan3A_23 = arith.constant 3200 : i32
    return
  }
  func.func @transform_2(%arg0: i32) -> (i32, i32) {
    %c0_i32 = arith.constant 0 : i32
    %c0_i32_0 = arith.constant 0 : i32
    return %arg0, %c0_i32 : i32, i32
  }
  func.func @transform_3(%arg0: i32) -> (i32, i32, i32) {
    %c0_i32 = arith.constant 0 : i32
    %c0_i32_0 = arith.constant 0 : i32
    %c0_i32_1 = arith.constant 0 : i32
    %c0_i32_2 = arith.constant 0 : i32
    return %c0_i32, %c0_i32_0, %c0_i32_1 : i32, i32, i32
  }
  func.func @transform_4(%arg0: i32) -> (i32, i32) {
    %c0_i32 = arith.constant 0 : i32
    %c0_i32_0 = arith.constant 0 : i32
    %c0_i32_1 = arith.constant 0 : i32
    return %c0_i32, %c0_i32_0 : i32, i32
  }
  func.func @transform_5(%arg0: i32) -> (i32, i32) {
    %c0_i32 = arith.constant 0 : i32
    %c0_i32_0 = arith.constant 0 : i32
    %c0_i32_1 = arith.constant 0 : i32
    return %c0_i32, %c0_i32_0 : i32, i32
  }
  func.func @transform_6(%arg0: i32) -> (i32, i32, i32) {
    %c0_i32 = arith.constant 0 : i32
    %c0_i32_0 = arith.constant 0 : i32
    %c0_i32_1 = arith.constant 0 : i32
    %c0_i32_2 = arith.constant 0 : i32
    return %c0_i32, %c0_i32_0, %c0_i32_1 : i32, i32, i32
  }
  func.func @transform_7(%arg0: i32) -> (i32, i32, i32) {
    %c0_i32 = arith.constant 0 : i32
    %c0_i32_0 = arith.constant 0 : i32
    %c0_i32_1 = arith.constant 0 : i32
    %c0_i32_2 = arith.constant 0 : i32
    return %c0_i32, %c0_i32_0, %c0_i32_1 : i32, i32, i32
  }
}

module attributes {stable_mosaic.version = 14 : i64} {
  func.func @_post_kernel(%arg0: i32, %arg1: memref<512x384xf32, #tpu.memory_space<vmem>>, %arg2: memref<512x256xf32, #tpu.memory_space<vmem>>, %arg3: memref<512x256xf32, #tpu.memory_space<vmem>>, %arg4: memref<512x128xf32, #tpu.memory_space<vmem>>, %arg5: memref<1664x128xf32, #tpu.memory_space<vmem>>, %arg6: memref<1x128xf32, #tpu.memory_space<vmem>>, %arg7: memref<128x128xf32, #tpu.memory_space<vmem>>, %arg8: memref<1x128xf32, #tpu.memory_space<vmem>>, %arg9: memref<512x128xf32, #tpu.memory_space<vmem>>, %arg10: memref<8x128xf32, #tpu.memory_space<vmem>>) attributes {dimension_semantics = [#tpu.dimension_semantics<arbitrary>], iteration_bounds = array<i64: 20>, scalar_prefetch = 0 : i64, scratch_operands = 0 : i64, tpu.core_type = #tpu.core_type<tc>, window_params = [{transform_indices = @transform_0, window_bounds = array<i64: 512, 384>}, {transform_indices = @transform_1, window_bounds = array<i64: 512, 256>}, {transform_indices = @transform_2, window_bounds = array<i64: 512, 256>}, {transform_indices = @transform_3, window_bounds = array<i64: 512, 128>}, {pipeline_mode = #tpu.pipeline_mode<synchronous>, transform_indices = @transform_4, window_bounds = array<i64: 1664, 128>}, {pipeline_mode = #tpu.pipeline_mode<synchronous>, transform_indices = @transform_5, window_bounds = array<i64: 1, 128>}, {pipeline_mode = #tpu.pipeline_mode<synchronous>, transform_indices = @transform_6, window_bounds = array<i64: 128, 128>}, {pipeline_mode = #tpu.pipeline_mode<synchronous>, transform_indices = @transform_7, window_bounds = array<i64: 1, 128>}, {transform_indices = @transform_8, window_bounds = array<i64: 512, 128>}, {pipeline_mode = #tpu.pipeline_mode<synchronous>, transform_indices = @transform_9, window_bounds = array<i64: 8, 128>}]} {
    %get3A = arith.constant 0 : index
    %get3A_0 = arith.constant 0 : index
    %get3A_1 = vector.load %arg1[%get3A, %get3A_0] : memref<512x384xf32, #tpu.memory_space<vmem>>, vector<512x384xf32>
    %slice3A = vector.extract_strided_slice %get3A_1 {offsets = [0, 0], sizes = [512, 128], strides = [1, 1]} : vector<512x384xf32> to vector<512x128xf32>
    %slice3A_2 = vector.extract_strided_slice %get3A_1 {offsets = [0, 128], sizes = [512, 128], strides = [1, 1]} : vector<512x384xf32> to vector<512x128xf32>
    %slice3A_3 = vector.extract_strided_slice %get3A_1 {offsets = [0, 256], sizes = [512, 128], strides = [1, 1]} : vector<512x384xf32> to vector<512x128xf32>
    %get3A_4 = arith.constant 0 : index
    %get3A_5 = arith.constant 0 : index
    %get3A_6 = vector.load %arg3[%get3A_4, %get3A_5] : memref<512x256xf32, #tpu.memory_space<vmem>>, vector<512x128xf32>
    %get3A_7 = arith.constant 0 : index
    %get3A_8 = arith.constant 0 : index
    %get3A_9 = vector.load %arg2[%get3A_7, %get3A_8] : memref<512x256xf32, #tpu.memory_space<vmem>>, vector<512x128xf32>
    %get3A_10 = arith.constant 0 : index
    %get3A_11 = arith.constant 128 : index
    %get3A_12 = vector.load %arg2[%get3A_10, %get3A_11] : memref<512x256xf32, #tpu.memory_space<vmem>>, vector<512x128xf32>
    %max3A = arith.constant 1.000000e+00 : f32
    %max3A_13 = vector.broadcast %max3A : f32 to vector<512x128xf32>
    %max3A_14 = arith.maximumf %slice3A_3, %max3A_13 : vector<512x128xf32>
    %div3A = arith.divf %slice3A, %max3A_14 : vector<512x128xf32>
    %gt3A = arith.constant 0.000000e+00 : f32
    %gt3A_15 = vector.broadcast %gt3A : f32 to vector<512x128xf32>
    %gt3A_16 = arith.cmpf ogt, %slice3A_3, %gt3A_15 : vector<512x128xf32>
    %add3A = arith.addf %get3A_6, %div3A : vector<512x128xf32>
    %jit3A = arith.constant 0.000000e+00 : f32
    %broadcast_in_dim3A = vector.broadcast %jit3A : f32 to vector<512x128xf32>
    %select_n3A = arith.select %gt3A_16, %add3A, %broadcast_in_dim3A : vector<512x128xi1>, vector<512x128xf32>
    %div3A_17 = arith.divf %slice3A_2, %max3A_14 : vector<512x128xf32>
    %mul3A = arith.mulf %div3A, %div3A : vector<512x128xf32>
    %sub3A = arith.subf %div3A_17, %mul3A : vector<512x128xf32>
    %max3A_18 = arith.constant 0.000000e+00 : f32
    %max3A_19 = vector.broadcast %max3A_18 : f32 to vector<512x128xf32>
    %max3A_20 = arith.maximumf %sub3A, %max3A_19 : vector<512x128xf32>
    %add3A_21 = arith.constant 9.99999974E-6 : f32
    %add3A_22 = vector.broadcast %add3A_21 : f32 to vector<512x128xf32>
    %add3A_23 = arith.addf %max3A_20, %add3A_22 : vector<512x128xf32>
    %sqrt3A = math.sqrt %add3A_23 : vector<512x128xf32>
    %add3A_24 = arith.addf %get3A_6, %get3A_9 : vector<512x128xf32>
    %jit3A_25 = arith.constant 0.000000e+00 : f32
    %broadcast_in_dim3A_26 = vector.broadcast %jit3A_25 : f32 to vector<512x128xf32>
    %select_n3A_27 = arith.select %gt3A_16, %add3A_24, %broadcast_in_dim3A_26 : vector<512x128xi1>, vector<512x128xf32>
    %sub3A_28 = arith.subf %get3A_6, %get3A_12 : vector<512x128xf32>
    %jit3A_29 = arith.constant 0.000000e+00 : f32
    %broadcast_in_dim3A_30 = vector.broadcast %jit3A_29 : f32 to vector<512x128xf32>
    %select_n3A_31 = arith.select %gt3A_16, %sub3A_28, %broadcast_in_dim3A_30 : vector<512x128xi1>, vector<512x128xf32>
    %add3A_32 = arith.constant 1.000000e+00 : f32
    %add3A_33 = vector.broadcast %add3A_32 : f32 to vector<512x128xf32>
    %add3A_34 = arith.addf %max3A_14, %add3A_33 : vector<512x128xf32>
    %log3A = math.log %add3A_34 : vector<512x128xf32>
    %mul3A_35 = arith.constant 0.62104857 : f32
    %mul3A_36 = vector.broadcast %mul3A_35 : f32 to vector<512x128xf32>
    %mul3A_37 = arith.mulf %log3A, %mul3A_36 : vector<512x128xf32>
    %div3A_38 = arith.constant 1.000000e+00 : f32
    %div3A_39 = vector.broadcast %div3A_38 : f32 to vector<512x128xf32>
    %div3A_40 = arith.divf %div3A_39, %mul3A_37 : vector<512x128xf32>
    %get3A_41 = arith.constant 0 : index
    %get3A_42 = arith.constant 0 : index
    %get3A_43 = vector.load %arg4[%get3A_41, %get3A_42] : memref<512x128xf32, #tpu.memory_space<vmem>>, vector<512x128xf32>
    %mul3A_44 = arith.mulf %select_n3A, %mul3A_37 : vector<512x128xf32>
    %mul3A_45 = arith.mulf %select_n3A_31, %mul3A_37 : vector<512x128xf32>
    %mul3A_46 = arith.mulf %select_n3A_27, %mul3A_37 : vector<512x128xf32>
    %mul3A_47 = arith.mulf %sqrt3A, %mul3A_37 : vector<512x128xf32>
    %mul3A_48 = arith.mulf %select_n3A, %div3A_40 : vector<512x128xf32>
    %mul3A_49 = arith.mulf %select_n3A_31, %div3A_40 : vector<512x128xf32>
    %mul3A_50 = arith.mulf %select_n3A_27, %div3A_40 : vector<512x128xf32>
    %mul3A_51 = arith.mulf %sqrt3A, %div3A_40 : vector<512x128xf32>
    %concatenate3A = tpu.concatenate %get3A_43, %select_n3A, %select_n3A_31, %select_n3A_27, %sqrt3A, %mul3A_44, %mul3A_45, %mul3A_46, %mul3A_47, %mul3A_48, %mul3A_49, %mul3A_50, %mul3A_51 in 1 : vector<512x128xf32>, vector<512x128xf32>, vector<512x128xf32>, vector<512x128xf32>, vector<512x128xf32>, vector<512x128xf32>, vector<512x128xf32>, vector<512x128xf32>, vector<512x128xf32>, vector<512x128xf32>, vector<512x128xf32>, vector<512x128xf32>, vector<512x128xf32> -> vector<512x1664xf32>
    %get3A_52 = arith.constant 0 : index
    %get3A_53 = arith.constant 0 : index
    %get3A_54 = vector.load %arg5[%get3A_52, %get3A_53] : memref<1664x128xf32, #tpu.memory_space<vmem>>, vector<1664x128xf32>
    %dot_general3A = arith.constant dense<0.000000e+00> : vector<512x128xf32>
    %dot_general3A_55 = tpu.matmul %concatenate3A, %get3A_54, %dot_general3A {dimension_numbers = #tpu.dot_dimension_numbers<[1], [0], [0], [1], [0, 0, 1, 1], [], []>, transpose_lhs_hint = false} : vector<512x1664xf32>, vector<1664x128xf32>, vector<512x128xf32> -> vector<512x128xf32>
    %get3A_56 = arith.constant 0 : index
    %get3A_57 = arith.constant 0 : index
    %get3A_58 = vector.load %arg6[%get3A_56, %get3A_57] : memref<1x128xf32, #tpu.memory_space<vmem>>, vector<1x128xf32>
    %add3A_59 = vector.broadcast %get3A_58 : vector<1x128xf32> to vector<512x128xf32>
    %add3A_60 = arith.addf %dot_general3A_55, %add3A_59 : vector<512x128xf32>
    %get3A_61 = arith.constant 0 : index
    %get3A_62 = arith.constant 0 : index
    %get3A_63 = vector.load %arg7[%get3A_61, %get3A_62] : memref<128x128xf32, #tpu.memory_space<vmem>>, vector<128x128xf32>
    %dot_general3A_64 = arith.constant dense<0.000000e+00> : vector<512x128xf32>
    %dot_general3A_65 = tpu.matmul %add3A_60, %get3A_63, %dot_general3A_64 {dimension_numbers = #tpu.dot_dimension_numbers<[1], [0], [0], [1], [0, 0, 1, 1], [], []>, transpose_lhs_hint = false} : vector<512x128xf32>, vector<128x128xf32>, vector<512x128xf32> -> vector<512x128xf32>
    %get3A_66 = arith.constant 0 : index
    %get3A_67 = arith.constant 0 : index
    %get3A_68 = vector.load %arg8[%get3A_66, %get3A_67] : memref<1x128xf32, #tpu.memory_space<vmem>>, vector<1x128xf32>
    %add3A_69 = vector.broadcast %get3A_68 : vector<1x128xf32> to vector<512x128xf32>
    %add3A_70 = arith.addf %dot_general3A_65, %add3A_69 : vector<512x128xf32>
    %iota3A = tpu.iota {dimensions = array<i32: 0>} : vector<512x128xi32>
    %mul3A_71 = arith.constant 512 : i32
    %mul3A_72 = arith.muli %arg0, %mul3A_71 : i32
    %add3A_73 = vector.broadcast %mul3A_72 : i32 to vector<512x128xi32>
    %add3A_74 = arith.addi %iota3A, %add3A_73 : vector<512x128xi32>
    %lt3A = arith.constant 10000 : i32
    %lt3A_75 = vector.broadcast %lt3A : i32 to vector<512x128xi32>
    %lt3A_76 = arith.cmpi slt, %add3A_74, %lt3A_75 : vector<512x128xi32>
    %jit3A_77 = arith.constant 0.000000e+00 : f32
    %broadcast_in_dim3A_78 = vector.broadcast %jit3A_77 : f32 to vector<512x128xf32>
    %select_n3A_79 = arith.select %lt3A_76, %add3A_70, %broadcast_in_dim3A_78 : vector<512x128xi1>, vector<512x128xf32>
    %swap3A = arith.constant 0 : index
    %swap3A_80 = arith.constant 0 : index
    %swap3A_81 = vector.load %arg9[%swap3A, %swap3A_80] : memref<512x128xf32, #tpu.memory_space<vmem>>, vector<512x128xf32>
    tpu.vector_store %arg9[%swap3A, %swap3A_80], %select_n3A_79 {strides = array<i32>} : memref<512x128xf32, #tpu.memory_space<vmem>>, vector<512x128xf32>,
    %reduce_sum3A = arith.constant dense<0.000000e+00> : vector<128xf32>
    %reduce_sum3A_82 = vector.multi_reduction <add>, %select_n3A_79, %reduce_sum3A [0] : vector<512x128xf32> to vector<128xf32>
    %broadcast_in_dim3A_83 = vector.shape_cast %reduce_sum3A_82 : vector<128xf32> to vector<1x128xf32>
    %mul3A_84 = arith.mulf %select_n3A_79, %select_n3A_79 : vector<512x128xf32>
    %reduce_sum3A_85 = arith.constant dense<0.000000e+00> : vector<128xf32>
    %reduce_sum3A_86 = vector.multi_reduction <add>, %mul3A_84, %reduce_sum3A_85 [0] : vector<512x128xf32> to vector<128xf32>
    %broadcast_in_dim3A_87 = vector.shape_cast %reduce_sum3A_86 : vector<128xf32> to vector<1x128xf32>
    %broadcast_in_dim3A_88 = arith.constant 0.000000e+00 : f32
    %broadcast_in_dim3A_89 = vector.broadcast %broadcast_in_dim3A_88 : f32 to vector<6x128xf32>
    %concatenate3A_90 = tpu.concatenate %broadcast_in_dim3A_83, %broadcast_in_dim3A_87, %broadcast_in_dim3A_89 in 0 : vector<1x128xf32>, vector<1x128xf32>, vector<6x128xf32> -> vector<8x128xf32>
    %eq3A = arith.constant 0 : i32
    %eq3A_91 = arith.cmpi eq, %arg0, %eq3A : i32
    %broadcast_in_dim3A_92 = arith.constant 0.000000e+00 : f32
    %broadcast_in_dim3A_93 = vector.broadcast %broadcast_in_dim3A_92 : f32 to vector<8x128xf32>
    %get3A_94 = arith.constant 0 : index
    %get3A_95 = arith.constant 0 : index
    %get3A_96 = vector.load %arg10[%get3A_94, %get3A_95] : memref<8x128xf32, #tpu.memory_space<vmem>>, vector<8x128xf32>
    %select_n3A_97 = arith.select %eq3A_91, %broadcast_in_dim3A_93, %get3A_96 : vector<8x128xf32>
    %add3A_98 = arith.addf %select_n3A_97, %concatenate3A_90 : vector<8x128xf32>
    %swap3A_99 = arith.constant 0 : index
    %swap3A_100 = arith.constant 0 : index
    %swap3A_101 = vector.load %arg10[%swap3A_99, %swap3A_100] : memref<8x128xf32, #tpu.memory_space<vmem>>, vector<8x128xf32>
    tpu.vector_store %arg10[%swap3A_99, %swap3A_100], %add3A_98 {strides = array<i32>} : memref<8x128xf32, #tpu.memory_space<vmem>>, vector<8x128xf32>,
    return
  }
  func.func @transform_0(%arg0: i32) -> (i32, i32) {
    %c0_i32 = arith.constant 0 : i32
    %c0_i32_0 = arith.constant 0 : i32
    return %arg0, %c0_i32 : i32, i32
  }
  func.func @transform_1(%arg0: i32) -> (i32, i32) {
    %c0_i32 = arith.constant 0 : i32
    %c0_i32_0 = arith.constant 0 : i32
    return %arg0, %c0_i32 : i32, i32
  }
  func.func @transform_2(%arg0: i32) -> (i32, i32) {
    %c0_i32 = arith.constant 0 : i32
    %c0_i32_0 = arith.constant 0 : i32
    return %arg0, %c0_i32 : i32, i32
  }
  func.func @transform_3(%arg0: i32) -> (i32, i32) {
    %c0_i32 = arith.constant 0 : i32
    %c0_i32_0 = arith.constant 0 : i32
    return %arg0, %c0_i32 : i32, i32
  }
  func.func @transform_4(%arg0: i32) -> (i32, i32) {
    %c0_i32 = arith.constant 0 : i32
    %c0_i32_0 = arith.constant 0 : i32
    %c0_i32_1 = arith.constant 0 : i32
    return %c0_i32, %c0_i32_0 : i32, i32
  }
  func.func @transform_5(%arg0: i32) -> (i32, i32) {
    %c0_i32 = arith.constant 0 : i32
    %c0_i32_0 = arith.constant 0 : i32
    %c0_i32_1 = arith.constant 0 : i32
    return %c0_i32, %c0_i32_0 : i32, i32
  }
  func.func @transform_6(%arg0: i32) -> (i32, i32) {
    %c0_i32 = arith.constant 0 : i32
    %c0_i32_0 = arith.constant 0 : i32
    %c0_i32_1 = arith.constant 0 : i32
    return %c0_i32, %c0_i32_0 : i32, i32
  }
  func.func @transform_7(%arg0: i32) -> (i32, i32) {
    %c0_i32 = arith.constant 0 : i32
    %c0_i32_0 = arith.constant 0 : i32
    %c0_i32_1 = arith.constant 0 : i32
    return %c0_i32, %c0_i32_0 : i32, i32
  }
  func.func @transform_8(%arg0: i32) -> (i32, i32) {
    %c0_i32 = arith.constant 0 : i32
    %c0_i32_0 = arith.constant 0 : i32
    return %arg0, %c0_i32 : i32, i32
  }
  func.func @transform_9(%arg0: i32) -> (i32, i32) {
    %c0_i32 = arith.constant 0 : i32
    %c0_i32_0 = arith.constant 0 : i32
    %c0_i32_1 = arith.constant 0 : i32
    return %c0_i32, %c0_i32_0 : i32, i32
  }
}

module attributes {stable_mosaic.version = 14 : i64} {
  func.func @_bnact_kernel(%arg0: i32, %arg1: memref<512x128xf32, #tpu.memory_space<vmem>>, %arg2: memref<1x128xf32, #tpu.memory_space<vmem>>, %arg3: memref<1x128xf32, #tpu.memory_space<vmem>>, %arg4: memref<128x256xf32, #tpu.memory_space<vmem>>, %arg5: memref<10240xi32, #tpu.memory_space<any>>, %arg6: memref<512x128xf32, #tpu.memory_space<vmem>>, %arg7: memref<512x256xf32, #tpu.memory_space<vmem>>, %arg8: memref<64x1x128xf32, #tpu.memory_space<vmem>>, %arg9: memref<512x1x128xf32, #tpu.memory_space<vmem>>, %arg10: memref<512xi32, #tpu.memory_space<smem>>, %arg11: memref<!tpu.dma_semaphore, #tpu.memory_space<semaphore_mem>>) attributes {dimension_semantics = [#tpu.dimension_semantics<arbitrary>], iteration_bounds = array<i64: 20>, scalar_prefetch = 0 : i64, scratch_operands = 3 : i64, tpu.core_type = #tpu.core_type<tc>, window_params = [{transform_indices = @transform_0, window_bounds = array<i64: 512, 128>}, {pipeline_mode = #tpu.pipeline_mode<synchronous>, transform_indices = @transform_1, window_bounds = array<i64: 1, 128>}, {pipeline_mode = #tpu.pipeline_mode<synchronous>, transform_indices = @transform_2, window_bounds = array<i64: 1, 128>}, {pipeline_mode = #tpu.pipeline_mode<synchronous>, transform_indices = @transform_3, window_bounds = array<i64: 128, 256>}, {}, {transform_indices = @transform_5, window_bounds = array<i64: 512, 128>}, {transform_indices = @transform_6, window_bounds = array<i64: 512, 256>}, {pipeline_mode = #tpu.pipeline_mode<synchronous>, transform_indices = @transform_7, window_bounds = array<i64: 64, 1, 128>}]} {
    %mul3A = arith.constant 512 : i32
    %mul3A_0 = arith.muli %arg0, %mul3A : i32
    %dma_start3A = tpu.memref_slice %arg5[%mul3A_0] : memref<10240xi32, #tpu.memory_space<any>> -> memref<512xi32, #tpu.memory_space<any>>
    tpu.enqueue_dma source(%dma_start3A : memref<512xi32, #tpu.memory_space<any>>) target(%arg10 : memref<512xi32, #tpu.memory_space<smem>>) target_semaphore(%arg11 : memref<!tpu.dma_semaphore, #tpu.memory_space<semaphore_mem>>)
    %eq3A = arith.constant 0 : i32
    %eq3A_1 = arith.cmpi eq, %arg0, %eq3A : i32
    %convert_element_type3A = arith.extui %eq3A_1 : i1 to i32
    %cond3A = arith.constant 0 : i32
    %cond3A_2 = arith.cmpi ne, %convert_element_type3A, %cond3A : i32
    scf.if %cond3A_2 {
      %broadcast_in_dim3A_39 = arith.constant 0.000000e+00 : f32
      %broadcast_in_dim3A_40 = vector.broadcast %broadcast_in_dim3A_39 : f32 to vector<64x1x128xf32>
      %swap3A_41 = arith.constant 0 : index
      %swap3A_42 = arith.constant 0 : index
      %swap3A_43 = arith.constant 0 : index
      %swap3A_44 = vector.load %arg8[%swap3A_41, %swap3A_42, %swap3A_43] : memref<64x1x128xf32, #tpu.memory_space<vmem>>, vector<64x1x128xf32>
      tpu.vector_store %arg8[%swap3A_41, %swap3A_42, %swap3A_43], %broadcast_in_dim3A_40 {strides = array<i32>} : memref<64x1x128xf32, #tpu.memory_space<vmem>>, vector<64x1x128xf32>,
    } else {
    }
    %get3A = arith.constant 0 : index
    %get3A_3 = arith.constant 0 : index
    %get3A_4 = vector.load %arg1[%get3A, %get3A_3] : memref<512x128xf32, #tpu.memory_space<vmem>>, vector<512x128xf32>
    %get3A_5 = arith.constant 0 : index
    %get3A_6 = arith.constant 0 : index
    %get3A_7 = vector.load %arg2[%get3A_5, %get3A_6] : memref<1x128xf32, #tpu.memory_space<vmem>>, vector<1x128xf32>
    %mul3A_8 = vector.broadcast %get3A_7 : vector<1x128xf32> to vector<512x128xf32>
    %mul3A_9 = arith.mulf %get3A_4, %mul3A_8 : vector<512x128xf32>
    %get3A_10 = arith.constant 0 : index
    %get3A_11 = arith.constant 0 : index
    %get3A_12 = vector.load %arg3[%get3A_10, %get3A_11] : memref<1x128xf32, #tpu.memory_space<vmem>>, vector<1x128xf32>
    %add3A = vector.broadcast %get3A_12 : vector<1x128xf32> to vector<512x128xf32>
    %add3A_13 = arith.addf %mul3A_9, %add3A : vector<512x128xf32>
    %max3A = arith.constant 0.000000e+00 : f32
    %max3A_14 = vector.broadcast %max3A : f32 to vector<512x128xf32>
    %max3A_15 = arith.maximumf %add3A_13, %max3A_14 : vector<512x128xf32>
    %iota3A = tpu.iota {dimensions = array<i32: 0>} : vector<512x128xi32>
    %mul3A_16 = arith.constant 512 : i32
    %mul3A_17 = arith.muli %arg0, %mul3A_16 : i32
    %add3A_18 = vector.broadcast %mul3A_17 : i32 to vector<512x128xi32>
    %add3A_19 = arith.addi %iota3A, %add3A_18 : vector<512x128xi32>
    %lt3A = arith.constant 10000 : i32
    %lt3A_20 = vector.broadcast %lt3A : i32 to vector<512x128xi32>
    %lt3A_21 = arith.cmpi slt, %add3A_19, %lt3A_20 : vector<512x128xi32>
    %jit3A = arith.constant 0.000000e+00 : f32
    %broadcast_in_dim3A = vector.broadcast %jit3A : f32 to vector<512x128xf32>
    %select_n3A = arith.select %lt3A_21, %max3A_15, %broadcast_in_dim3A : vector<512x128xi1>, vector<512x128xf32>
    %swap3A = arith.constant 0 : index
    %swap3A_22 = arith.constant 0 : index
    %swap3A_23 = vector.load %arg6[%swap3A, %swap3A_22] : memref<512x128xf32, #tpu.memory_space<vmem>>, vector<512x128xf32>
    tpu.vector_store %arg6[%swap3A, %swap3A_22], %select_n3A {strides = array<i32>} : memref<512x128xf32, #tpu.memory_space<vmem>>, vector<512x128xf32>,
    %get3A_24 = arith.constant 0 : index
    %get3A_25 = arith.constant 0 : index
    %get3A_26 = vector.load %arg4[%get3A_24, %get3A_25] : memref<128x256xf32, #tpu.memory_space<vmem>>, vector<128x256xf32>
    %dot_general3A = arith.constant dense<0.000000e+00> : vector<512x256xf32>
    %dot_general3A_27 = tpu.matmul %select_n3A, %get3A_26, %dot_general3A {dimension_numbers = #tpu.dot_dimension_numbers<[1], [0], [0], [1], [0, 0, 1, 1], [], []>, transpose_lhs_hint = false} : vector<512x128xf32>, vector<128x256xf32>, vector<512x256xf32> -> vector<512x256xf32>
    %swap3A_28 = arith.constant 0 : index
    %swap3A_29 = arith.constant 0 : index
    %swap3A_30 = vector.load %arg7[%swap3A_28, %swap3A_29] : memref<512x256xf32, #tpu.memory_space<vmem>>, vector<512x256xf32>
    tpu.vector_store %arg7[%swap3A_28, %swap3A_29], %dot_general3A_27 {strides = array<i32>} : memref<512x256xf32, #tpu.memory_space<vmem>>, vector<512x256xf32>,
    %reshape3A = vector.shape_cast %select_n3A : vector<512x128xf32> to vector<512x1x128xf32>
    %swap3A_31 = arith.constant 0 : index
    %swap3A_32 = arith.constant 0 : index
    %swap3A_33 = arith.constant 0 : index
    %swap3A_34 = vector.load %arg9[%swap3A_31, %swap3A_32, %swap3A_33] : memref<512x1x128xf32, #tpu.memory_space<vmem>>, vector<512x1x128xf32>
    tpu.vector_store %arg9[%swap3A_31, %swap3A_32, %swap3A_33], %reshape3A {strides = array<i32>} : memref<512x1x128xf32, #tpu.memory_space<vmem>>, vector<512x1x128xf32>,
    %dma_wait3A = tpu.memref_slice %arg5[%mul3A_0] : memref<10240xi32, #tpu.memory_space<any>> -> memref<512xi32, #tpu.memory_space<any>>
    tpu.wait_dma2 semaphore(%arg11 : memref<!tpu.dma_semaphore, #tpu.memory_space<semaphore_mem>>) src(%dma_wait3A : memref<512xi32, #tpu.memory_space<any>>) dst(%arg10 : memref<512xi32, #tpu.memory_space<smem>>)
    %scan3A = arith.constant 0 : i32
    %scan3A_35 = arith.constant 512 : i32
    %scan3A_36 = arith.addi %scan3A, %scan3A_35 : i32
    %scan3A_37 = arith.constant 1 : i32
    scf.for %scan3A_39 = %scan3A to %scan3A_36 step %scan3A_37  : i32 {
      %get3A_40 = arith.index_cast %scan3A_39 : i32 to index
      %get3A_41 = memref.load %arg10[%get3A_40] : memref<512xi32, #tpu.memory_space<smem>>
      %get3A_42 = arith.index_cast %scan3A_39 : i32 to index
      %get3A_43 = arith.constant 0 : index
      %get3A_44 = arith.constant 0 : index
      %get3A_45 = vector.load %arg9[%get3A_42, %get3A_43, %get3A_44] : memref<512x1x128xf32, #tpu.memory_space<vmem>>, vector<1x1x128xf32>
      %get3A_46 = arith.index_cast %get3A_41 : i32 to index
      %get3A_47 = arith.constant 0 : index
      %get3A_48 = arith.constant 0 : index
      %get3A_49 = vector.load %arg8[%get3A_46, %get3A_47, %get3A_48] : memref<64x1x128xf32, #tpu.memory_space<vmem>>, vector<1x1x128xf32>
      %add3A_50 = arith.addf %get3A_49, %get3A_45 : vector<1x1x128xf32>
      %swap3A_51 = arith.index_cast %get3A_41 : i32 to index
      %swap3A_52 = arith.constant 0 : index
      %swap3A_53 = arith.constant 0 : index
      %swap3A_54 = vector.load %arg8[%swap3A_51, %swap3A_52, %swap3A_53] : memref<64x1x128xf32, #tpu.memory_space<vmem>>, vector<1x1x128xf32>
      tpu.vector_store %arg8[%swap3A_51, %swap3A_52, %swap3A_53], %add3A_50 {strides = array<i32>} : memref<64x1x128xf32, #tpu.memory_space<vmem>>, vector<1x1x128xf32>,
    }
    %scan3A_38 = arith.constant 512 : i32
    return
  }
  func.func @transform_0(%arg0: i32) -> (i32, i32) {
    %c0_i32 = arith.constant 0 : i32
    %c0_i32_0 = arith.constant 0 : i32
    return %arg0, %c0_i32 : i32, i32
  }
  func.func @transform_1(%arg0: i32) -> (i32, i32) {
    %c0_i32 = arith.constant 0 : i32
    %c0_i32_0 = arith.constant 0 : i32
    %c0_i32_1 = arith.constant 0 : i32
    return %c0_i32, %c0_i32_0 : i32, i32
  }
  func.func @transform_2(%arg0: i32) -> (i32, i32) {
    %c0_i32 = arith.constant 0 : i32
    %c0_i32_0 = arith.constant 0 : i32
    %c0_i32_1 = arith.constant 0 : i32
    return %c0_i32, %c0_i32_0 : i32, i32
  }
  func.func @transform_3(%arg0: i32) -> (i32, i32) {
    %c0_i32 = arith.constant 0 : i32
    %c0_i32_0 = arith.constant 0 : i32
    %c0_i32_1 = arith.constant 0 : i32
    return %c0_i32, %c0_i32_0 : i32, i32
  }
  func.func @transform_5(%arg0: i32) -> (i32, i32) {
    %c0_i32 = arith.constant 0 : i32
    %c0_i32_0 = arith.constant 0 : i32
    return %arg0, %c0_i32 : i32, i32
  }
  func.func @transform_6(%arg0: i32) -> (i32, i32) {
    %c0_i32 = arith.constant 0 : i32
    %c0_i32_0 = arith.constant 0 : i32
    return %arg0, %c0_i32 : i32, i32
  }
  func.func @transform_7(%arg0: i32) -> (i32, i32, i32) {
    %c0_i32 = arith.constant 0 : i32
    %c0_i32_0 = arith.constant 0 : i32
    %c0_i32_1 = arith.constant 0 : i32
    %c0_i32_2 = arith.constant 0 : i32
    return %c0_i32, %c0_i32_0, %c0_i32_1 : i32, i32, i32
  }
}

module attributes {stable_mosaic.version = 14 : i64} {
  func.func @_bnact_kernel(%arg0: i32, %arg1: memref<512x128xf32, #tpu.memory_space<vmem>>, %arg2: memref<1x128xf32, #tpu.memory_space<vmem>>, %arg3: memref<1x128xf32, #tpu.memory_space<vmem>>, %arg4: memref<128x256xf32, #tpu.memory_space<vmem>>, %arg5: memref<10240xi32, #tpu.memory_space<any>>, %arg6: memref<512x128xf32, #tpu.memory_space<vmem>>, %arg7: memref<512x256xf32, #tpu.memory_space<vmem>>, %arg8: memref<64x1x128xf32, #tpu.memory_space<vmem>>, %arg9: memref<64x1x128xf32, #tpu.memory_space<vmem>>, %arg10: memref<512x1x128xf32, #tpu.memory_space<vmem>>, %arg11: memref<512xi32, #tpu.memory_space<smem>>, %arg12: memref<!tpu.dma_semaphore, #tpu.memory_space<semaphore_mem>>) attributes {dimension_semantics = [#tpu.dimension_semantics<arbitrary>], iteration_bounds = array<i64: 20>, scalar_prefetch = 0 : i64, scratch_operands = 3 : i64, tpu.core_type = #tpu.core_type<tc>, window_params = [{transform_indices = @transform_0, window_bounds = array<i64: 512, 128>}, {pipeline_mode = #tpu.pipeline_mode<synchronous>, transform_indices = @transform_1, window_bounds = array<i64: 1, 128>}, {pipeline_mode = #tpu.pipeline_mode<synchronous>, transform_indices = @transform_2, window_bounds = array<i64: 1, 128>}, {pipeline_mode = #tpu.pipeline_mode<synchronous>, transform_indices = @transform_3, window_bounds = array<i64: 128, 256>}, {}, {transform_indices = @transform_5, window_bounds = array<i64: 512, 128>}, {transform_indices = @transform_6, window_bounds = array<i64: 512, 256>}, {pipeline_mode = #tpu.pipeline_mode<synchronous>, transform_indices = @transform_7, window_bounds = array<i64: 64, 1, 128>}, {pipeline_mode = #tpu.pipeline_mode<synchronous>, transform_indices = @transform_8, window_bounds = array<i64: 64, 1, 128>}]} {
    %mul3A = arith.constant 512 : i32
    %mul3A_0 = arith.muli %arg0, %mul3A : i32
    %dma_start3A = tpu.memref_slice %arg5[%mul3A_0] : memref<10240xi32, #tpu.memory_space<any>> -> memref<512xi32, #tpu.memory_space<any>>
    tpu.enqueue_dma source(%dma_start3A : memref<512xi32, #tpu.memory_space<any>>) target(%arg11 : memref<512xi32, #tpu.memory_space<smem>>) target_semaphore(%arg12 : memref<!tpu.dma_semaphore, #tpu.memory_space<semaphore_mem>>)
    %eq3A = arith.constant 0 : i32
    %eq3A_1 = arith.cmpi eq, %arg0, %eq3A : i32
    %convert_element_type3A = arith.extui %eq3A_1 : i1 to i32
    %cond3A = arith.constant 0 : i32
    %cond3A_2 = arith.cmpi ne, %convert_element_type3A, %cond3A : i32
    scf.if %cond3A_2 {
      %broadcast_in_dim3A_39 = arith.constant 0.000000e+00 : f32
      %broadcast_in_dim3A_40 = vector.broadcast %broadcast_in_dim3A_39 : f32 to vector<64x1x128xf32>
      %swap3A_41 = arith.constant 0 : index
      %swap3A_42 = arith.constant 0 : index
      %swap3A_43 = arith.constant 0 : index
      %swap3A_44 = vector.load %arg8[%swap3A_41, %swap3A_42, %swap3A_43] : memref<64x1x128xf32, #tpu.memory_space<vmem>>, vector<64x1x128xf32>
      tpu.vector_store %arg8[%swap3A_41, %swap3A_42, %swap3A_43], %broadcast_in_dim3A_40 {strides = array<i32>} : memref<64x1x128xf32, #tpu.memory_space<vmem>>, vector<64x1x128xf32>,
      %broadcast_in_dim3A_45 = arith.constant 0.000000e+00 : f32
      %broadcast_in_dim3A_46 = vector.broadcast %broadcast_in_dim3A_45 : f32 to vector<64x1x128xf32>
      %swap3A_47 = arith.constant 0 : index
      %swap3A_48 = arith.constant 0 : index
      %swap3A_49 = arith.constant 0 : index
      %swap3A_50 = vector.load %arg9[%swap3A_47, %swap3A_48, %swap3A_49] : memref<64x1x128xf32, #tpu.memory_space<vmem>>, vector<64x1x128xf32>
      tpu.vector_store %arg9[%swap3A_47, %swap3A_48, %swap3A_49], %broadcast_in_dim3A_46 {strides = array<i32>} : memref<64x1x128xf32, #tpu.memory_space<vmem>>, vector<64x1x128xf32>,
    } else {
    }
    %get3A = arith.constant 0 : index
    %get3A_3 = arith.constant 0 : index
    %get3A_4 = vector.load %arg1[%get3A, %get3A_3] : memref<512x128xf32, #tpu.memory_space<vmem>>, vector<512x128xf32>
    %get3A_5 = arith.constant 0 : index
    %get3A_6 = arith.constant 0 : index
    %get3A_7 = vector.load %arg2[%get3A_5, %get3A_6] : memref<1x128xf32, #tpu.memory_space<vmem>>, vector<1x128xf32>
    %mul3A_8 = vector.broadcast %get3A_7 : vector<1x128xf32> to vector<512x128xf32>
    %mul3A_9 = arith.mulf %get3A_4, %mul3A_8 : vector<512x128xf32>
    %get3A_10 = arith.constant 0 : index
    %get3A_11 = arith.constant 0 : index
    %get3A_12 = vector.load %arg3[%get3A_10, %get3A_11] : memref<1x128xf32, #tpu.memory_space<vmem>>, vector<1x128xf32>
    %add3A = vector.broadcast %get3A_12 : vector<1x128xf32> to vector<512x128xf32>
    %add3A_13 = arith.addf %mul3A_9, %add3A : vector<512x128xf32>
    %max3A = arith.constant 0.000000e+00 : f32
    %max3A_14 = vector.broadcast %max3A : f32 to vector<512x128xf32>
    %max3A_15 = arith.maximumf %add3A_13, %max3A_14 : vector<512x128xf32>
    %iota3A = tpu.iota {dimensions = array<i32: 0>} : vector<512x128xi32>
    %mul3A_16 = arith.constant 512 : i32
    %mul3A_17 = arith.muli %arg0, %mul3A_16 : i32
    %add3A_18 = vector.broadcast %mul3A_17 : i32 to vector<512x128xi32>
    %add3A_19 = arith.addi %iota3A, %add3A_18 : vector<512x128xi32>
    %lt3A = arith.constant 10000 : i32
    %lt3A_20 = vector.broadcast %lt3A : i32 to vector<512x128xi32>
    %lt3A_21 = arith.cmpi slt, %add3A_19, %lt3A_20 : vector<512x128xi32>
    %jit3A = arith.constant 0.000000e+00 : f32
    %broadcast_in_dim3A = vector.broadcast %jit3A : f32 to vector<512x128xf32>
    %select_n3A = arith.select %lt3A_21, %max3A_15, %broadcast_in_dim3A : vector<512x128xi1>, vector<512x128xf32>
    %swap3A = arith.constant 0 : index
    %swap3A_22 = arith.constant 0 : index
    %swap3A_23 = vector.load %arg6[%swap3A, %swap3A_22] : memref<512x128xf32, #tpu.memory_space<vmem>>, vector<512x128xf32>
    tpu.vector_store %arg6[%swap3A, %swap3A_22], %select_n3A {strides = array<i32>} : memref<512x128xf32, #tpu.memory_space<vmem>>, vector<512x128xf32>,
    %get3A_24 = arith.constant 0 : index
    %get3A_25 = arith.constant 0 : index
    %get3A_26 = vector.load %arg4[%get3A_24, %get3A_25] : memref<128x256xf32, #tpu.memory_space<vmem>>, vector<128x256xf32>
    %dot_general3A = arith.constant dense<0.000000e+00> : vector<512x256xf32>
    %dot_general3A_27 = tpu.matmul %select_n3A, %get3A_26, %dot_general3A {dimension_numbers = #tpu.dot_dimension_numbers<[1], [0], [0], [1], [0, 0, 1, 1], [], []>, transpose_lhs_hint = false} : vector<512x128xf32>, vector<128x256xf32>, vector<512x256xf32> -> vector<512x256xf32>
    %swap3A_28 = arith.constant 0 : index
    %swap3A_29 = arith.constant 0 : index
    %swap3A_30 = vector.load %arg7[%swap3A_28, %swap3A_29] : memref<512x256xf32, #tpu.memory_space<vmem>>, vector<512x256xf32>
    tpu.vector_store %arg7[%swap3A_28, %swap3A_29], %dot_general3A_27 {strides = array<i32>} : memref<512x256xf32, #tpu.memory_space<vmem>>, vector<512x256xf32>,
    %reshape3A = vector.shape_cast %select_n3A : vector<512x128xf32> to vector<512x1x128xf32>
    %swap3A_31 = arith.constant 0 : index
    %swap3A_32 = arith.constant 0 : index
    %swap3A_33 = arith.constant 0 : index
    %swap3A_34 = vector.load %arg10[%swap3A_31, %swap3A_32, %swap3A_33] : memref<512x1x128xf32, #tpu.memory_space<vmem>>, vector<512x1x128xf32>
    tpu.vector_store %arg10[%swap3A_31, %swap3A_32, %swap3A_33], %reshape3A {strides = array<i32>} : memref<512x1x128xf32, #tpu.memory_space<vmem>>, vector<512x1x128xf32>,
    %dma_wait3A = tpu.memref_slice %arg5[%mul3A_0] : memref<10240xi32, #tpu.memory_space<any>> -> memref<512xi32, #tpu.memory_space<any>>
    tpu.wait_dma2 semaphore(%arg12 : memref<!tpu.dma_semaphore, #tpu.memory_space<semaphore_mem>>) src(%dma_wait3A : memref<512xi32, #tpu.memory_space<any>>) dst(%arg11 : memref<512xi32, #tpu.memory_space<smem>>)
    %scan3A = arith.constant 0 : i32
    %scan3A_35 = arith.constant 512 : i32
    %scan3A_36 = arith.addi %scan3A, %scan3A_35 : i32
    %scan3A_37 = arith.constant 1 : i32
    scf.for %scan3A_39 = %scan3A to %scan3A_36 step %scan3A_37  : i32 {
      %get3A_40 = arith.index_cast %scan3A_39 : i32 to index
      %get3A_41 = memref.load %arg11[%get3A_40] : memref<512xi32, #tpu.memory_space<smem>>
      %get3A_42 = arith.index_cast %scan3A_39 : i32 to index
      %get3A_43 = arith.constant 0 : index
      %get3A_44 = arith.constant 0 : index
      %get3A_45 = vector.load %arg10[%get3A_42, %get3A_43, %get3A_44] : memref<512x1x128xf32, #tpu.memory_space<vmem>>, vector<1x1x128xf32>
      %get3A_46 = arith.index_cast %get3A_41 : i32 to index
      %get3A_47 = arith.constant 0 : index
      %get3A_48 = arith.constant 0 : index
      %get3A_49 = vector.load %arg8[%get3A_46, %get3A_47, %get3A_48] : memref<64x1x128xf32, #tpu.memory_space<vmem>>, vector<1x1x128xf32>
      %add3A_50 = arith.addf %get3A_49, %get3A_45 : vector<1x1x128xf32>
      %swap3A_51 = arith.index_cast %get3A_41 : i32 to index
      %swap3A_52 = arith.constant 0 : index
      %swap3A_53 = arith.constant 0 : index
      %swap3A_54 = vector.load %arg8[%swap3A_51, %swap3A_52, %swap3A_53] : memref<64x1x128xf32, #tpu.memory_space<vmem>>, vector<1x1x128xf32>
      tpu.vector_store %arg8[%swap3A_51, %swap3A_52, %swap3A_53], %add3A_50 {strides = array<i32>} : memref<64x1x128xf32, #tpu.memory_space<vmem>>, vector<1x1x128xf32>,
      %get3A_55 = arith.index_cast %get3A_41 : i32 to index
      %get3A_56 = arith.constant 0 : index
      %get3A_57 = arith.constant 0 : index
      %get3A_58 = vector.load %arg9[%get3A_55, %get3A_56, %get3A_57] : memref<64x1x128xf32, #tpu.memory_space<vmem>>, vector<1x1x128xf32>
      %max3A_59 = arith.maximumf %get3A_58, %get3A_45 : vector<1x1x128xf32>
      %swap3A_60 = arith.index_cast %get3A_41 : i32 to index
      %swap3A_61 = arith.constant 0 : index
      %swap3A_62 = arith.constant 0 : index
      %swap3A_63 = vector.load %arg9[%swap3A_60, %swap3A_61, %swap3A_62] : memref<64x1x128xf32, #tpu.memory_space<vmem>>, vector<1x1x128xf32>
      tpu.vector_store %arg9[%swap3A_60, %swap3A_61, %swap3A_62], %max3A_59 {strides = array<i32>} : memref<64x1x128xf32, #tpu.memory_space<vmem>>, vector<1x1x128xf32>,
    }
    %scan3A_38 = arith.constant 512 : i32
    return
  }
  func.func @transform_0(%arg0: i32) -> (i32, i32) {
    %c0_i32 = arith.constant 0 : i32
    %c0_i32_0 = arith.constant 0 : i32
    return %arg0, %c0_i32 : i32, i32
  }
  func.func @transform_1(%arg0: i32) -> (i32, i32) {
    %c0_i32 = arith.constant 0 : i32
    %c0_i32_0 = arith.constant 0 : i32
    %c0_i32_1 = arith.constant 0 : i32
    return %c0_i32, %c0_i32_0 : i32, i32
  }
  func.func @transform_2(%arg0: i32) -> (i32, i32) {
    %c0_i32 = arith.constant 0 : i32
    %c0_i32_0 = arith.constant 0 : i32
    %c0_i32_1 = arith.constant 0 : i32
    return %c0_i32, %c0_i32_0 : i32, i32
  }
  func.func @transform_3(%arg0: i32) -> (i32, i32) {
    %c0_i32 = arith.constant 0 : i32
    %c0_i32_0 = arith.constant 0 : i32
    %c0_i32_1 = arith.constant 0 : i32
    return %c0_i32, %c0_i32_0 : i32, i32
  }
  func.func @transform_5(%arg0: i32) -> (i32, i32) {
    %c0_i32 = arith.constant 0 : i32
    %c0_i32_0 = arith.constant 0 : i32
    return %arg0, %c0_i32 : i32, i32
  }
  func.func @transform_6(%arg0: i32) -> (i32, i32) {
    %c0_i32 = arith.constant 0 : i32
    %c0_i32_0 = arith.constant 0 : i32
    return %arg0, %c0_i32 : i32, i32
  }
  func.func @transform_7(%arg0: i32) -> (i32, i32, i32) {
    %c0_i32 = arith.constant 0 : i32
    %c0_i32_0 = arith.constant 0 : i32
    %c0_i32_1 = arith.constant 0 : i32
    %c0_i32_2 = arith.constant 0 : i32
    return %c0_i32, %c0_i32_0, %c0_i32_1 : i32, i32, i32
  }
  func.func @transform_8(%arg0: i32) -> (i32, i32, i32) {
    %c0_i32 = arith.constant 0 : i32
    %c0_i32_0 = arith.constant 0 : i32
    %c0_i32_1 = arith.constant 0 : i32
    %c0_i32_2 = arith.constant 0 : i32
    return %c0_i32, %c0_i32_0, %c0_i32_1 : i32, i32, i32
  }
}

module attributes {stable_mosaic.version = 14 : i64} {
  func.func @_head_kernel(%arg0: memref<64x1024xf32, #tpu.memory_space<vmem>>, %arg1: memref<64x64xf32, #tpu.memory_space<vmem>>, %arg2: memref<1024x896xf32, #tpu.memory_space<vmem>>, %arg3: memref<1x896xf32, #tpu.memory_space<vmem>>, %arg4: memref<896x384xf32, #tpu.memory_space<vmem>>, %arg5: memref<1x384xf32, #tpu.memory_space<vmem>>, %arg6: memref<384x64xf32, #tpu.memory_space<vmem>>, %arg7: memref<1x64xf32, #tpu.memory_space<vmem>>, %arg8: memref<64x2xf32, #tpu.memory_space<vmem>>, %arg9: memref<1x2xf32, #tpu.memory_space<vmem>>, %arg10: memref<64x2xf32, #tpu.memory_space<vmem>>) attributes {dimension_semantics = [], scalar_prefetch = 0 : i64, scratch_operands = 0 : i64, tpu.core_type = #tpu.core_type<tc>} {
    %get3A = arith.constant 0 : index
    %get3A_0 = arith.constant 0 : index
    %get3A_1 = vector.load %arg0[%get3A, %get3A_0] : memref<64x1024xf32, #tpu.memory_space<vmem>>, vector<64x1024xf32>
    %get3A_2 = arith.constant 0 : index
    %get3A_3 = arith.constant 0 : index
    %get3A_4 = vector.load %arg2[%get3A_2, %get3A_3] : memref<1024x896xf32, #tpu.memory_space<vmem>>, vector<1024x896xf32>
    %dot_general3A = arith.constant dense<0.000000e+00> : vector<64x896xf32>
    %dot_general3A_5 = tpu.matmul %get3A_1, %get3A_4, %dot_general3A {dimension_numbers = #tpu.dot_dimension_numbers<[1], [0], [0], [1], [0, 0, 1, 1], [], []>, transpose_lhs_hint = false} : vector<64x1024xf32>, vector<1024x896xf32>, vector<64x896xf32> -> vector<64x896xf32>
    %get3A_6 = arith.constant 0 : index
    %get3A_7 = arith.constant 0 : index
    %get3A_8 = vector.load %arg3[%get3A_6, %get3A_7] : memref<1x896xf32, #tpu.memory_space<vmem>>, vector<1x896xf32>
    %add3A = vector.broadcast %get3A_8 : vector<1x896xf32> to vector<64x896xf32>
    %add3A_9 = arith.addf %dot_general3A_5, %add3A : vector<64x896xf32>
    %max3A = arith.constant 0.000000e+00 : f32
    %max3A_10 = vector.broadcast %max3A : f32 to vector<64x896xf32>
    %max3A_11 = arith.maximumf %add3A_9, %max3A_10 : vector<64x896xf32>
    %get3A_12 = arith.constant 0 : index
    %get3A_13 = arith.constant 0 : index
    %get3A_14 = vector.load %arg4[%get3A_12, %get3A_13] : memref<896x384xf32, #tpu.memory_space<vmem>>, vector<896x384xf32>
    %dot_general3A_15 = arith.constant dense<0.000000e+00> : vector<64x384xf32>
    %dot_general3A_16 = tpu.matmul %max3A_11, %get3A_14, %dot_general3A_15 {dimension_numbers = #tpu.dot_dimension_numbers<[1], [0], [0], [1], [0, 0, 1, 1], [], []>, transpose_lhs_hint = false} : vector<64x896xf32>, vector<896x384xf32>, vector<64x384xf32> -> vector<64x384xf32>
    %get3A_17 = arith.constant 0 : index
    %get3A_18 = arith.constant 0 : index
    %get3A_19 = vector.load %arg5[%get3A_17, %get3A_18] : memref<1x384xf32, #tpu.memory_space<vmem>>, vector<1x384xf32>
    %add3A_20 = vector.broadcast %get3A_19 : vector<1x384xf32> to vector<64x384xf32>
    %add3A_21 = arith.addf %dot_general3A_16, %add3A_20 : vector<64x384xf32>
    %max3A_22 = arith.constant 0.000000e+00 : f32
    %max3A_23 = vector.broadcast %max3A_22 : f32 to vector<64x384xf32>
    %max3A_24 = arith.maximumf %add3A_21, %max3A_23 : vector<64x384xf32>
    %get3A_25 = arith.constant 0 : index
    %get3A_26 = arith.constant 0 : index
    %get3A_27 = vector.load %arg6[%get3A_25, %get3A_26] : memref<384x64xf32, #tpu.memory_space<vmem>>, vector<384x64xf32>
    %dot_general3A_28 = arith.constant dense<0.000000e+00> : vector<64x64xf32>
    %dot_general3A_29 = tpu.matmul %max3A_24, %get3A_27, %dot_general3A_28 {dimension_numbers = #tpu.dot_dimension_numbers<[1], [0], [0], [1], [0, 0, 1, 1], [], []>, transpose_lhs_hint = false} : vector<64x384xf32>, vector<384x64xf32>, vector<64x64xf32> -> vector<64x64xf32>
    %get3A_30 = arith.constant 0 : index
    %get3A_31 = arith.constant 0 : index
    %get3A_32 = vector.load %arg1[%get3A_30, %get3A_31] : memref<64x64xf32, #tpu.memory_space<vmem>>, vector<64x64xf32>
    %add3A_33 = arith.addf %dot_general3A_29, %get3A_32 : vector<64x64xf32>
    %get3A_34 = arith.constant 0 : index
    %get3A_35 = arith.constant 0 : index
    %get3A_36 = vector.load %arg7[%get3A_34, %get3A_35] : memref<1x64xf32, #tpu.memory_space<vmem>>, vector<1x64xf32>
    %add3A_37 = vector.broadcast %get3A_36 : vector<1x64xf32> to vector<64x64xf32>
    %add3A_38 = arith.addf %add3A_33, %add3A_37 : vector<64x64xf32>
    %max3A_39 = arith.constant 0.000000e+00 : f32
    %max3A_40 = vector.broadcast %max3A_39 : f32 to vector<64x64xf32>
    %max3A_41 = arith.maximumf %add3A_38, %max3A_40 : vector<64x64xf32>
    %get3A_42 = arith.constant 0 : index
    %get3A_43 = arith.constant 0 : index
    %get3A_44 = vector.load %arg8[%get3A_42, %get3A_43] : memref<64x2xf32, #tpu.memory_space<vmem>>, vector<64x2xf32>
    %dot_general3A_45 = arith.constant dense<0.000000e+00> : vector<64x2xf32>
    %dot_general3A_46 = tpu.matmul %max3A_41, %get3A_44, %dot_general3A_45 {dimension_numbers = #tpu.dot_dimension_numbers<[1], [0], [0], [1], [0, 0, 1, 1], [], []>, transpose_lhs_hint = false} : vector<64x64xf32>, vector<64x2xf32>, vector<64x2xf32> -> vector<64x2xf32>
    %get3A_47 = arith.constant 0 : index
    %get3A_48 = arith.constant 0 : index
    %get3A_49 = vector.load %arg9[%get3A_47, %get3A_48] : memref<1x2xf32, #tpu.memory_space<vmem>>, vector<1x2xf32>
    %add3A_50 = vector.broadcast %get3A_49 : vector<1x2xf32> to vector<64x2xf32>
    %add3A_51 = arith.addf %dot_general3A_46, %add3A_50 : vector<64x2xf32>
    %swap3A = arith.constant 0 : index
    %swap3A_52 = arith.constant 0 : index
    %swap3A_53 = vector.load %arg10[%swap3A, %swap3A_52] : memref<64x2xf32, #tpu.memory_space<vmem>>, vector<64x2xf32>
    tpu.vector_store %arg10[%swap3A, %swap3A_52], %add3A_51 {strides = array<i32>} : memref<64x2xf32, #tpu.memory_space<vmem>>, vector<64x2xf32>,
    return
  }
}

</mosaic_0001>

<sc_bundles>
// kernel: scatter_offload_async_start
scs
__scs_entry_jumppad:
0x0: {  	(pc) =	sbr.rel $0x88, $3  }
0x1: {  	(tag) =	ssettag $0x0;
	lr =	simm.s32 $0x1  }
0x2: {  	[smem:$0x3F58] =	sst lr;
	_ =	strace $0xD0000000  }
0x3: {  	_ = 	snop  }
0x4: {  	_ = 	snop  }
0x5: {  	_ = 	snop  }
0x6: {  	_ = 	snop  }
0x7: {  	_ = 	snop  }
__scs_overlays_trampoline_lowered:
0x8: {  	[smem:$0x3F67] =	sst s0  }
0x9: {  	[smem:$0x3F68] =	sst s1  }
0xa: {  	[smem:$0x3F69] =	sst s2  }
0xb: {  	[smem:$0x3F6A] =	sst s3  }
0xc: {  	[smem:$0x3F6B] =	sst s4  }
0xd: {  	[smem:$0x3F6C] =	sst s5  }
0xe: {  	[smem:$0x3F6D] =	sst s6  }
0xf: {  	[smem:$0x3F6E] =	sst s7  }
0x10: {  	[smem:$0x3F6F] =	sst s8  }
0x11: {  	[smem:$0x3F70] =	sst s9;
	s0 =	simm.s32 @!p0 $0x0  }
0x12: {  	s1 =	sld [smem:$0x3F56];
	s0 =	simm.s32 @p0 $0x1  }
0x13: {  	[smem:$0x3F71] =	sst s0;
	s0 =	simm.s32 @!p1 $0x0  }
0x14: {  	s2 =	sld [smem:$0x3F55];
	s0 =	simm.s32 @p1 $0x1  }
0x15: {  	[smem:$0x3F72] =	sst s0;
	s0 =	simm.s32 @!p2 $0x0  }
0x16: {  	s3 =	sld [smem:$0x3FDB];
	s0 =	simm.s32 @p2 $0x1  }
0x17: {  	s4 =	simm.s32 $0x1BF5;
	[smem:$0x3F74] =	sst s0  }
0x18: {  	s0 =	sld [smem:$0x3F57];
	_ =	swait.ge [sflag:s4], $0x0  }
0x19: {  	s7 =	sld [smem:$0x3F58]  }
0x1a: {  	s8 =	sadd.s32 $0xFFFFE003, lr  }
0x1b: {  	s9 =	sadd.s32 $0xFFFFFEF7, lr;
	s5 =	simm.s32 $0xFFFFFFFF;
	p2 =	slt.u32 s8, $0xFFFFF086  }
0x1c: {  	p1 =	slt.u32 s9, $0xF7A;
	s5 =	simm.s32 @!p2 $0x0  }
0x1d: {  	s5 =	simm.s32 @p1 $0x1;
	p0 =	seq.s32 s7, s2  }
0x1e: {  	s7 =	smul.u32 @!p0 $0xF7A, s2;
	p2 =	seq.s32 @!p0 s5, $0x0  }
0x1f: {  	s9 =	smul.u32 $0xF7A, s1;
	s8 =	simm.s32 @!p0 $0x1BF5;
	p2 =	por !p2, p0  }
0x20: {  	[sflag:s8] =	ssyncset.s32 @!p0 $0xFFFFF086;
	s6 =	sadd.s32 @!p0 s3, s7;
	s7 =	simm.s32 @!p0 $0x108  }
0x21: {  	s3 =	sadd.s32 s3, s9;
	s6 =	sadd.s32 @!p0 $0x88, s6;
	s7 =	simm.s32 @p2 $0x1082  }
0x22: {  	[simem:s7], [sflag:s8] =	dma.local @!p0 [hbm:s6], $0xF7A  }
0x23: {  	s9 =	sor.u32 $0xD0000000, s2;
	s6 =	simm.s32 $0x108;
	_ =	swait.ge @!p0 [sflag:s8], $0x0  }
0x24: {  	s3 =	sadd.s32 $0x88, s3;
	s6 =	simm.s32 @!p1 $0x1082;
	[sflag:s4] =	ssyncset.s32 $0xFFFFF086  }
0x25: {  	[simem:s6], [sflag:s4] =	dma.local [hbm:s3], $0xF7A  }
0x26: {  	[smem:$0x3F58] =	sst s1;
	(tag) =	ssettag s2;
	_ =	strace s9  }
0x27: {  	s1 =	sld [smem:$0x3F68]  }
0x28: {  	s2 =	sld [smem:$0x3F69]  }
0x29: {  	s4 =	sld [smem:$0x3F6B]  }
0x2a: {  	p0 =	seq.s32 s5, $0x0;
	s5 =	sld [smem:$0x3F6C]  }
0x2b: {  	s6 =	sld [smem:$0x3F6D]  }
0x2c: {  	s7 =	sld [smem:$0x3F6E]  }
0x2d: {  	s3 =	simm.s32 $0x108;
	s8 =	sld [smem:$0x3F6F]  }
0x2e: {  	s3 =	simm.s32 @!p0 $0x1082;
	s9 =	sld [smem:$0x3F70]  }
0x2f: {  	lr =	sadd.s32 s0, s3;
	s0 =	sld [smem:$0x3F67]  }
0x30: {  	s3 =	sld [smem:$0x3F6A]  }
0x31: {  	[smem:$0x3F73] =	sst s10  }
0x32: {  	s10 =	sld [smem:$0x3F71];
	_ =	sdelay $0x3  }
0x33: {  	p0 =	seq.s32 s10, $0x1;
	s10 =	sld [smem:$0x3F73];
	_ =	sdelay $0x3  }
0x34: {  	[smem:$0x3F73] =	sst s10  }
0x35: {  	s10 =	sld [smem:$0x3F72];
	_ =	sdelay $0x3  }
0x36: {  	p1 =	seq.s32 s10, $0x1;
	s10 =	sld [smem:$0x3F73];
	_ =	sdelay $0x3  }
0x37: {  	[smem:$0x3F73] =	sst s10  }
0x38: {  	s10 =	sld [smem:$0x3F74]  }
0x39: {  	_ = 	snop;
	(pc) =	sbr.ind lr, $3  }
0x3a: {  	_ = 	snop  }
0x3b: {  	_ = 	snop  }
0x3c: {  	p2 =	seq.s32 s10, $0x1;
	s10 =	sld [smem:$0x3F73]  }
0x3d: {  	_ =	shalt  }
0x3e: {  	_ =	shalt  }
0x3f: {  	_ =	shalt  }
0x40: {  	_ =	shalt  }
0x41: {  	_ =	shalt  }
0x42: {  	_ =	shalt  }
0x43: {  	_ =	shalt  }
0x44: {  	_ =	shalt  }
0x45: {  	_ =	shalt  }
0x46: {  	_ =	shalt  }
0x47: {  	_ =	shalt  }
0x48: {  	_ =	shalt  }
0x49: {  	_ =	shalt  }
0x4a: {  	_ =	shalt  }
0x4b: {  	_ =	shalt  }
0x4c: {  	_ =	shalt  }
0x4d: {  	_ =	shalt  }
0x4e: {  	_ =	shalt  }
0x4f: {  	_ =	shalt  }
0x50: {  	_ =	shalt  }
0x51: {  	_ =	shalt  }
0x52: {  	_ =	shalt  }
0x53: {  	_ =	shalt  }
0x54: {  	_ =	shalt  }
0x55: {  	_ =	shalt  }
0x56: {  	_ =	shalt  }
0x57: {  	_ =	shalt  }
0x58: {  	_ =	shalt  }
0x59: {  	_ =	shalt  }
0x5a: {  	_ =	shalt  }
0x5b: {  	_ =	shalt  }
0x5c: {  	_ =	shalt  }
0x5d: {  	_ =	shalt  }
0x5e: {  	_ =	shalt  }
0x5f: {  	_ =	shalt  }
0x60: {  	_ =	shalt  }
0x61: {  	_ =	shalt  }
0x62: {  	_ =	shalt  }
0x63: {  	_ =	shalt  }
0x64: {  	_ =	shalt  }
0x65: {  	_ =	shalt  }
0x66: {  	_ =	shalt  }
0x67: {  	_ =	shalt  }
0x68: {  	_ =	shalt  }
0x69: {  	_ =	shalt  }
0x6a: {  	_ =	shalt  }
0x6b: {  	_ =	shalt  }
0x6c: {  	_ =	shalt  }
0x6d: {  	_ =	shalt  }
0x6e: {  	_ =	shalt  }
0x6f: {  	_ =	shalt  }
0x70: {  	_ =	shalt  }
0x71: {  	_ =	shalt  }
0x72: {  	_ =	shalt  }
0x73: {  	_ =	shalt  }
0x74: {  	_ =	shalt  }
0x75: {  	_ =	shalt  }
0x76: {  	_ =	shalt  }
0x77: {  	_ =	shalt  }
0x78: {  	_ =	shalt  }
0x79: {  	_ =	shalt  }
0x7a: {  	_ =	shalt  }
0x7b: {  	_ =	shalt  }
0x7c: {  	_ =	shalt  }
0x7d: {  	_ =	shalt  }
0x7e: {  	_ =	shalt  }
0x7f: {  	_ =	shalt  }
0x80: {  	_ =	shalt  }
0x81: {  	_ =	shalt  }
0x82: {  	_ =	shalt  }
0x83: {  	_ =	shalt  }
0x84: {  	_ =	shalt  }
0x85: {  	_ =	shalt  }
0x86: {  	_ =	shalt  }
0x87: {  	_ =	shalt  }
.Lfunc_end0:
.L_simem_size_0:
called_computation_lowered:
.L_overlay_start_0:
0x88: {  	s0 =	sld [smem:$0x3FD9]  }
0x89: {  	s1 =	sld [smem:$0x3FFE];
	_ =	sdelay $0x3  }
0x8a: {  	s0 =	sadd.s32 s1, s0  }
0x8b: {  	[smem:$0x3F7F] =	sst s0  }
0x8c: {  	_ = 	snop  }
0x8d: {  	s0 =	sld [smem:$0x3FD0];
	(tm) =	ssettm $0x1  }
0x8e: {  	s16 =	sld [smem:$0x3FFB];
	_ =	sdelay $0x3  }
0x8f: {  	_ =	strace s16  }
0x90: {  	s1 =	sld [smem:$0x3FFC];
	_ =	sdelay $0x3  }
0x91: {  	_ =	strace s1  }
0x92: {  	s1 =	sld [smem:$0x3FFD];
	_ =	sdelay $0x3  }
0x93: {  	_ =	strace s1  }
0x94: {  	_ =	strace $0x8FFFFFFF  }
0x95: {  	s17 =	sld [smem:$0x3FDB];
	_ =	sdelay $0x1  }
0x96: {  	s2 =	simm.s32 $_scs_section_size  }
0x97: {  	s3 =	simm.s32 $_size__tile_overlayer_lowered;
	s4 =	simm.s32 $_tile_overlayer_lowered  }
0x98: {  	s20 =	simm.s32 $0x1BFF;
	s19 =	sshll.u32 s4, $0x1;
	s1 =	sadd.s32 s2, s17  }
0x99: {  	s5 =	simm.s32 $0x0;
	s18 =	sshll.u32 s3, $0x1;
	s3 =	sadd.s32 s19, s1  }
0x9a: {  	[timem:s5], [sflag:s20] =	dma.local [hbm:s3], s18  }
0x9b: {  	_ =	swait.ge [sflag:s20], s18  }
0x9c: {  	s2 =	ssub.s32 $0x0, s18;
	[sflag:s20] =	ssyncset.done $0x0  }
0x9d: {  	[sflag:s20] =	ssyncadd.s32 s2;
	_ =	sdelay $0x1  }
0x9e: {  	s21 =	simm.s32 $0x1B8B  }
0x9f: {  	_ =	swait.ge [sflag:s21], $0x1  }
0xa0: {  	[sflag:s21] =	ssyncset.done $0x0  }
0xa1: {  	s23 =	simm.s32 $0x1B8E;
	s22 =	sld [smem:$0x3FFE];
	[sflag:s21] =	ssyncadd.s32 $0xFFFFFFFF  }
0xa2: {  	s24 =	simm.s32 $execute0_lowered;
	[smem:$0x3FD2] =	sst s23  }
0xa3: {  	s3 =	sshll.u32 s24, $0x1;
	_ =	strace $0x80000046;
	[dreg:$0x1] =	wrdreg $0xFFFFFFFF  }
0xa4: {  	s25 =	simm.s32 $_size_execute0_lowered;
	s1 =	sadd.s32 s1, s3;
	[dreg:$0x0] =	wrdreg $0x0  }
0xa5: {  	s3 =	sshll.u32 s25, $0x1;
	[dreg:$0x2] =	wrdreg s1  }
0xa6: {  	[dreg:$0x3] =	wrdreg s3  }
0xa7: {  	[dreg:$0x4] =	wrdreg $0xC0  }
0xa8: {  	_ =	task [dreg:s5], $0x5FFFF  }
0xa9: {  	[dreg:$0x1] =	wrdreg $0xFFFFFFFF  }
0xaa: {  	[dreg:$0x0] =	wrdreg $0x60  }
0xab: {  	[dreg:$0x2] =	wrdreg s0  }
0xac: {  	[dreg:$0x3] =	wrdreg s22  }
0xad: {  	[dreg:$0x4] =	wrdreg $0x9  }
0xae: {  	_ =	task.clear_ibuf [dreg:s5], $0x5FFFF;
	_ =	strace $0x90000046  }
0xaf: {  	s26 =	simm.s32 $0x9;
	_ =	strace $0x80000048  }
0xb0: {  	_ =	swait.ge [sflag:s26], $0x1  }
0xb1: {  	[sflag:s26] =	ssyncadd.s32 $0xFFFFFFFF  }
0xb2: {  	_ =	strace $0x90000048  }
0xb3: {  	_ =	sfence  }
0xb4: {  	s28 =	sld [smem:$0x0];
	_ =	sdelay $0x1  }
0xb5: {  	s29 =	srdreg.scid  }
0xb6: {  	s30 =	sshll.u32 s29, $0xD;
	s31 =	sshrl.u32 s29, $0x2  }
0xb7: {  	s2 =	sand.u32 $0x4000, s30;
	s1 =	sand.u32 $0x1, s29;
	s0 =	sadd.s32 s31, s28  }
0xb8: {  	s1 =	sor.u32 s2, s1;
	s0 =	sshll.u32 s0, $0x11  }
0xb9: {  	s0 =	sor.u32 s0, s1  }
0xba: {  	s0 =	sadd.s32 $0x8F2B, s0  }
0xbb: {  	[sflag:s0] =	ssyncadd.remote.s32 $0x1  }
0xbc: {  	_ =	sfence.sel $0xFFFF  }
0xbd: {  	[dreg:$0x0] =	wrdreg $0xFFFFFFFF;
	(pc) =	sbr.abs _section_cstart, $3  }
0xbe: {  	[dreg:$0x1] =	wrdreg $0xFFFFFFFF  }
0xbf: {  	_ =	task.clear_ibuf [dreg:s5], $0x2FFFF;
	_ =	strace $0x9FFFFFFF  }
0xc0: {  	(tm) =	ssettm $0x7FFFFFFF  }
0xc1: {  	_ =	shalt  }
tec
execute0_lowered:
.L_overlay_start_1:
0x0: {  	(tag) =	ssettag $0x1  }
0x1: {  	s1 =	rddreg [dreg:$0x0];
	s6 =	stileid.u32  }
0x2: {  	s0 =	rddreg [dreg:$0x1];
	_ =	strace $0x80000047;
	s2 =	smin.u32 s6, $0x9  }
0x3: {  	s9 =	simm.s32 $0x1;
	p0 =	slt.u32 s6, $0x9;
	s2 =	sadd.s32 s6, s2  }
0x4: {  	v1 =	vimm.s32 $0xFFFFFFFF;
	[sflag:s9] =	ssyncpa.u1 $0x0;
	s3 =	smul.u32 $0x190, s2;
	s2 =	simm.s32 $0x320  }
0x5: {  	[tilespmem:$0x10] =	vst v1;
	s2 =	simm.s32 @!p0 $0x190  }
0x6: {  	v0 =	vimm.f32 $0.0e+00;
	[tilespmem:$0x20] =	vst v1;
	s2 =	sadd.s32 s2, s3  }
0x7: {  	[tilespmem:$0x30] =	vst v0;
	s4 =	smin.u32 s2, $0x2710  }
0x8: {  	[tilespmem:$0x40] =	vst v0;
	s2 =	ssub.s32 s4, s3  }
0x9: {  	[tilespmem:$0x50] =	vst v0;
	p0 =	sgt.s32 s2, $0x0  }
0xa: {  	[tilespmem:$0x60] =	vst v1;
	s2 =	simm.s32 @!p0 $0x0  }
0xb: {  	s7 =	simm.s32 $0x2;
	s8 =	simm.s32 $0x8;
	[tilespmem:$0x70] =	vst v1;
	s5 =	sand.u32 $0xFFF0, s2  }
0xc: {  	s31 =	simm.s32 $0x9;
	s16 =	simm.s32 $0x0;
	[tilespmem:$0x80] =	vst v1;
	s5 =	sshrl.u32 s5, $0x4  }
0xd: {  	s17 =	simm.s32 $0xF0;
	s18 =	simm.s32 $0xFFFFFFFF;
	v1 =	vimm.s32 $0x0;
	[tilespmem:$0xB0] =	vst v0;
	s5 =	smul.u32 $0xA3E, s5  }
0xe: {  	s19 =	simm.s32 $0xFFFFFDE0;
	s20 =	simm.s32 $0xFFFFFFFE;
	s21 =	simm.s32 $0xF;
	[tilespmem:$0x90] =	vst v1  }
0xf: {  	[tilespmem:$0xA0] =	vst v1;
	[sflag:s7] =	ssyncpa.u1 $0x0;
	s7 =	simm.s32 $0x7;
	s10 =	sshrl.u32 s5, $0x10  }
0x10: {  	s25 =	simm.s32 $0x0;
	[sflag:s7] =	ssyncpa.u1 $0x0;
	s11 =	smul.u32 $0x190, s10  }
0x11: {  	s24 =	simm.s32 $0x0;
	s14 =	sshllo.u32 s6, $0x1;
	[sflag:s8] =	ssyncpa.u1 $0x0  }
.Ltmp0:
0x12: {  	s23 =	smov.u32 s3;
	p0 =	sne.s32 s2, s11;
	(pc) =	sbr.rel .LBB2_1-.Ltmp0, $4  }
0x13: {  	s5 =	sadd.s32 $0x89A00, s0;
	s0 =	sadd.s32 $0x8A000, s0;
	s9 =	simm.s32 @!p0 $0x0  }
0x14: {  	[sflag:s31] =	ssyncpa.u1 $0x0;
	[dreg:$0x3] =	wrdreg s0;
	s9 =	sadd.s32 s10, s9  }
0x15: {  	vm0 =	vmmov $0xffff;
	v2 =	vlaneseq.u32;
	p0 =	por $0x0, $0x0;
	s10 =	sshll.u32 s6, $0x1;
	s11 =	sadd.s32 $0x1, s9  }
0x16: {  	vm1 =	vmxor vm1, vm1;
	vm2 =	vmmov $0x1;
	vm3 =	vcmask $0x3F3C;
	s12 =	sadd.s32 $0x2, s9;
	s13 =	sor.u32 $0x81, s10;
	s15 =	sor.u32 $0x80, s10  }
.LBB2_9:
0x17: {  	p1 =	slt.u32 s24, $0x3  }
0x18: {  	s0 =	simm.s32 @!p1 $0x2  }
0x19: {  	_ =	swait.ge @!p1 [sflag:s0], $0x190  }
0x1a: {  	[sflag:s0] =	ssyncset.done @!p1 $0x0  }
0x1b: {  	[sflag:s0] =	ssyncadd.s32 @!p1 $0xFFFFFE70;
	s0 =	simm.s32 @!p1 $0x9  }
0x1c: {  	_ =	swait.ge @!p1 [sflag:s0], $0x10  }
0x1d: {  	[sflag:s0] =	ssyncset.done @!p1 $0x0  }
0x1e: {  	[sflag:s0] =	ssyncadd.s32 @!p1 $0xFFFFFFF0;
	p1 =	sne.s32 s24, s12  }
.Ltmp1:
0x1f: {  	s2 =	sadd.s32 $0x190, s23;
	(pc) =	sbr.rel @!p1 .LBB2_10-.Ltmp1, $4  }
0x20: {  	s6 =	smov.u32 s3;
	s31 =	sadd.s32 $0x1, s24;
	s17 =	sadd.s32 $0x190, s17  }
0x21: {  	s18 =	sadd.s32 $0x1, s18;
	s25 =	smov.u32 s23;
	p2 =	slt.s32 s2, s4  }
0x22: {  	p0 =	por !p0, !p0;
	s19 =	sadd.s32 $0x190, s19;
	s6 =	smov.u32 @p2 s2  }
0x23: {  	s20 =	sadd.s32 $0x1, s20;
	s23 =	smov.u32 s6;
	s24 =	smov.u32 s31  }
.LBB2_1:
0x24: {  	p1 =	sge.u32 s24, s9  }
0x25: {  	s0 =	smulhi.u32 @!p1 $0xAAAAAAAB, s24;
	_ =	sdelay $0x1  }
0x26: {  	s0 =	sshrl.u32 @!p1 s0, $0x1  }
0x27: {  	s0 =	smul.u32 @!p1 $0x3, s0;
	_ =	sdelay $0x1  }
0x28: {  	s0 =	ssub.s32 @!p1 s24, s0  }
0x29: {  	s0 =	smul.u32 @!p1 $0x640, s0;
	_ =	sdelay $0x1  }
0x2a: {  	s2 =	sshrl.u32 @!p1 s23, $0x3;
	s0 =	sshrl.u32 @!p1 s0, $0x2  }
0x2b: {  	s22 =	sand.u32 @!p1 $0x7, s23;
	s2 =	sadd.s32 @!p1 s5, s2;
	s0 =	sadd.s32 @!p1 $0x100, s0  }
0x2c: {  	[tilespmem:s0], [sflag:$0x7] =	stream.linear.gather @!p1 [hbm4b:s2+s22], $0x190, $0x38;
	[tilespmem:$0xF30] =	vst v63  }
0x2d: {  	s0 =	sadd.s32 $0xFFFFFFFF, s24  }
0x2e: {  	p1 =	sge.u32 s0, s9  }
.Ltmp2:
0x2f: {  	_ = 	snop;
	(pc) =	sbr.rel @p1 .LBB2_5-.Ltmp2, $1  }
0x30: {  	_ =	sdelay $0x3  }
0x31: {  	s2 =	smulhi.u32 $0xAAAAAAAB, s0;
	_ =	sdelay $0x1  }
0x32: {  	s2 =	sshrl.u32 s2, $0x1  }
0x33: {  	s2 =	smul.u32 $0x3, s2;
	_ =	sdelay $0x1  }
0x34: {  	s2 =	ssub.s32 s0, s2  }
0x35: {  	s2 =	smul.u32 $0x640, s2  }
0x36: {  	_ =	swait.ge [sflag:s7], $0x190  }
0x37: {  	[sflag:s7] =	ssyncset.done $0x0;
	s2 =	sshrl.u32 s2, $0x2  }
0x38: {  	[sflag:s7] =	ssyncadd.s32 $0xFFFFFE70;
	(ifvalue) =	ssetifvalue $0xFFFFFFFF;
	v3 =	vld.msk [tilespmem:s2+$0x100 ss:$0x1], $0xffff;
	_ =	sdelay $0x2  }
0x39: {  	s30 =	smulhi.u32 $0xAAAAAAAB, s18;
	p1 =	sne.s32 s24, $0x1  }
0x3a: {  	v4 =	vimm.s32 @!p1 $0x0  }
0x3b: {  	s2 =	sshrl.u32 s30, $0x1;
	v4 =	vperm.xlane @!p1 v3, v4  }
0x3c: {  	s22 =	sshll.u32 s24, $0x4;
	s2 =	smul.u32 $0xFFFFED40, s2;
	vm4 =	vlt.u32 v3, $0x80  }
0x3d: {  	s22 =	sand.u32 $0x10, s22;
	v3 =	vnsel vm4, $0xFFFFFFFE, v3;
	vm4 =	vlt.u32 @!p1 v4, $0x80  }
0x3e: {  	s2 =	sshra.s32 s2, $0x2;
	[tilespmem:s22+$0x60] =	vst v3;
	v3 =	vnsel @!p1 vm4, $0xFFFFFFFE, v4  }
0x3f: {  	s28 =	sadd.s32 s2, s17;
	[tilespmem:$0x80] =	vst @!p1 v3  }
0x40: {  	v3 =	vld.msk [tilespmem:s28+$0x0 ss:$0x1], $0xffff;
	_ =	sdelay $0x4  }
0x41: {  	(xrf1) =	vunique.msk.u32 $0xffff, v3;
	_ =	sdelay $0xd  }
0x42: {  	v4 =	vimm.s32 $0xFFFFFFFF;
	v5, _, _ =	vpop (xrf1)  }
0x43: {  	vm5 =	vne.s32 v3, v4;
	vm4 =	veq.s32 v5, v2  }
0x44: {  	vm6 =	vlt.u32 v3, $0x80;
	vm4 =	vmand vm5, vm4  }
0x45: {  	vm4 =	vmand vm6, vm4  }
0x46: {  	v4 =	vnsel vm4, $0xFFFFFFFF, v3  }
0x47: {  	s31 =	sand.u32 $0x1, s0  }
0x48: {  	s0 =	simm.s32 $0x190;
	p1 =	seq.s32 s31, $0x1  }
0x49: {  	s0 =	simm.s32 @!p1 $0x0  }
0x4a: {  	s26 =	sadd.s32 $0x730, s0;
	(ifvalue) =	ssetifvalue $0xFFFFFFFF  }
0x4b: {  	v3 =	vperm.xlane v3, v1;
	[tilespmem:s26], [sflag:$0x8] =	stream.indirect_vreg.gather [hbm4b:s1+s16], $0x1, v4, vm0, $0x4038;
	v4 =	vnsel vm6, $0xFFFFFFFE, v4;
	[tilespmem:$0xF30] =	vst v63  }
0x4c: {  	s2 =	simm.s32 $0x0;
	s22 =	sadd.s32 $0xFFFFFFF0, s28;
	[tilespmem:s28+$0x0] =	vst v4  }
.LBB2_3:
0x4d: {  	v4 =	vld.msk [tilespmem:s22+$0x0 ss:$0x1], $0xffff;
	s2 =	sadd.s32 $0x10, s2;
	v5 =	vmov v3;
	s28 =	smov.u32 s22  }
0x4e: {  	p1 =	slt.u32 s2, $0x180;
	_ =	sdelay $0x4  }
0x4f: {  	v3 =	vperm.xlane v4, v1;
	(xrf1) =	vunique.msk.u32 $0xffff, v4;
	_ =	sdelay $0xd  }
0x50: {  	v6, _, _ =	vpop (xrf1)  }
0x51: {  	vm5 =	vne.s32 v4, v5;
	vm4 =	veq.s32 v6, v2  }
0x52: {  	vm6 =	vlt.u32 v4, $0x80;
	vm4 =	vmand vm5, vm4  }
0x53: {  	vm4 =	vmand vm6, vm4  }
0x54: {  	v4 =	vnsel vm4, $0xFFFFFFFF, v4  }
.Ltmp3:
0x55: {  	v5 =	vnsel vm6, $0xFFFFFFFE, v4;
	(pc) =	sbr.rel @p1 .LBB2_3-.Ltmp3, $3  }
0x56: {  	_ =	sdelay $0x1  }
0x57: {  	s22 =	sadd.s32 $0xFFFFFFF0, s22;
	s26 =	sadd.s32 $0xFFFFFFF0, s26;
	(ifvalue) =	ssetifvalue $0xFFFFFFFF  }
0x58: {  	[tilespmem:s26], [sflag:$0x8] =	stream.indirect_vreg.gather [hbm4b:s1+s16], $0x1, v4, vm0, $0x4038;
	[tilespmem:s28+$0x0] =	vst v5  }
0x59: {  	s2 =	sshrl.u32 s25, $0x3;
	s6 =	rddreg [dreg:$0x3]  }
0x5a: {  	s0 =	sadd.s32 $0x8D0, s0;
	s2 =	sadd.s32 s6, s2  }
0x5b: {  	[tilespmem:s0], [sflag:$0x8] =	stream.linear.gather [hbm:s2], $0x190, $0x38;
	[tilespmem:$0xF30] =	vst v63  }
.LBB2_5:
0x5c: {  	p1 =	slt.u32 s24, $0x2  }
0x5d: {  	p2 =	sge.u32 @!p1 s24, s12  }
0x5e: {  	p1 =	por p1, p2  }
.Ltmp4:
0x5f: {  	_ = 	snop;
	(pc) =	sbr.rel @p1 .LBB2_9-.Ltmp4, $1  }
0x60: {  	_ =	sdelay $0x3  }
0x61: {  	s0 =	sadd.s32 $0xFFFFFFFE, s24  }
0x62: {  	s2 =	smulhi.u32 $0xAAAAAAAB, s0;
	_ =	sdelay $0x1  }
0x63: {  	s2 =	sshrl.u32 s2, $0x1  }
0x64: {  	s2 =	smul.u32 $0x3, s2;
	_ =	sdelay $0x1  }
0x65: {  	s0 =	ssub.s32 s0, s2  }
0x66: {  	_ =	swait.ge [sflag:s8], $0x320;
	s0 =	smul.u32 $0x190, s0  }
0x67: {  	p1 =	sne.s32 s24, s11;
	[sflag:s8] =	ssyncset.done $0x0  }
0x68: {  	[sflag:s8] =	ssyncadd.s32 $0xFFFFFCE0;
	s2 =	sadd.s32 @!p1 $0x28F, s0  }
0x69: {  	[spmem:s13] =	stream.linear.scatter @!p1 [tilespmem:s2], [sflag:$0x1], $0x1, $0x38;
	[tilespmem:$0xF30] =	vst v63  }
0x6a: {  	s2 =	simm.s32 @!p1 $0x1  }
0x6b: {  	_ =	swait.ge @!p1 [sflag:s2], $0x1  }
0x6c: {  	s22 =	sshll.u32 s24, $0x4;
	[sflag:s2] =	ssyncset.done @!p1 $0x0  }
0x6d: {  	s25 =	sand.u32 $0x10, s22;
	[sflag:s2] =	ssyncadd.s32 @!p1 $0xFFFFFFFF  }
0x6e: {  	s2 =	sxor.u32 $0x10, s25;
	v4 =	vld [tilespmem:s25+$0x10]  }
0x6f: {  	v5 =	vld [tilespmem:s2+$0x60]  }
0x70: {  	v3 =	vld [tilespmem:$0x80];
	_ =	sdelay $0x2  }
0x71: {  	(v2sf) =	vpush v4, $0x0  }
0x72: {  	(v2sf) =	vpush v5, $0x0  }
0x73: {  	(v2sf) =	vpush v3, $0x0;
	_ =	sdelay $0xc  }
0x74: {  	s6 =	spop (v2sf)  }
0x75: {  	s28 =	spop (v2sf)  }
0x76: {  	s26 =	spop (v2sf)  }
0x77: {  	p2 =	seq.s32 s6, s28;
	p3 =	seq.s32 s26, s6  }
0x78: {  	p3 =	por p2, p3  }
0x79: {  	s6 =	sand.u32 $0x1, s24;
	v4 =	vpsel p3, $0xFFFFFFFF, v4  }
0x7a: {  	s28 =	smul.u32 $0x190, s6;
	[tilespmem:s25+$0x10] =	vst.msk $0x1, v4  }
0x7b: {  	v4 =	vld [tilespmem:$0x30]  }
0x7c: {  	v5 =	vld [tilespmem:s28+$0x8D0]  }
0x7d: {  	v6 =	vld [tilespmem:s25+$0x40];
	_ =	sdelay $0x3  }
0x7e: {  	vm4 =	vmmov vm1;
	v5 =	vadd.f32 v5, v4  }
0x7f: {  	vm5 =	vmmov vm2;
	vm4 =	vmmov @p2 vm2;
	v4 =	vadd.f32 v6, v4  }
0x80: {  	s22 =	sshll.u32 s6, $0x4;
	vm5 =	vmmov @p3 vm1;
	[tilespmem:s28+$0x8D0] =	vst.msk vm4, v5  }
0x81: {  	[tilespmem:s22+$0xF10] =	vst.msk vm5, v4  }
0x82: {  	v4 =	vld [tilespmem:s28+$0x730];
	_ =	sdelay $0x3  }
0x83: {  	v5 =	vimm.f32 $0.0e+00  }
0x84: {  	v4 =	vshift.insert v4, v5, s21  }
0x85: {  	s29 =	sor.u32 $0x40, s2  }
0x86: {  	[tilespmem:s29+$0x0] =	vst.msk $0x1, v4  }
0x87: {  	[tilespmem:s28+$0x73F] =	vst.msk $0x1, v5  }
0x88: {  	v4 =	vld [tilespmem:s0+$0x280];
	_ =	sdelay $0x1  }
0x89: {  	s29 =	smulhi.u32 $0xAAAAAAAB, s20;
	s0 =	simm.s32 $0x1  }
0x8a: {  	s0 =	simm.s32 @!p0 $0x0  }
0x8b: {  	s29 =	sshrl.u32 s29, $0x1;
	s0 =	smul.u32 $0x640, s0  }
0x8c: {  	s29 =	smul.u32 $0xFFFFED40, s29;
	v4 =	vshift.insert v4, v1, s21  }
0x8d: {  	s0 =	sshrl.u32 s0, $0x2  }
0x8e: {  	s29 =	sshra.s32 s29, $0x2;
	s30 =	sadd.s32 $0x8D0, s0;
	[tilespmem:s2+$0x10] =	vst.msk $0x1, v4  }
0x8f: {  	s6 =	sadd.s32 s29, s19;
	v6 =	vld [tilespmem:s30+$0x0]  }
0x90: {  	v7 =	vld [tilespmem:s6+$0x0];
	_ =	sdelay $0x3  }
0x91: {  	v5 =	vadd.f32 v6, v5  }
0x92: {  	vm4 =	vne.s32 v7, $0xFFFFFFFF  }
0x93: {  	(xrf2) =	vadd.seg.scan.f32 vm4, v5;
	_ =	sdelay $0x3  }
0x94: {  	s31 =	sadd.s32 $0x5B0, s0;
	v5 =	vperm.xlane v4, v1  }
0x95: {  	v6 =	vld [tilespmem:s31+$0x0]  }
0x96: {  	vm5 =	veq.s32 v7, v3;
	vm6 =	veq.s32 v7, v5  }
0x97: {  	vm7 =	vgt.u32 v7, $0xFFFFFFFD;
	vm6 =	vmor vm6, vm5  }
0x98: {  	vm6 =	vmor vm6, vm7  }
0x99: {  	v9 =	vld [tilespmem:$0xA0];
	v7 =	vsel vm6, $0xFFFFFFFF, v7  }
0x9a: {  	v10 =	vld [tilespmem:$0x90];
	v6 =	vsel vm5, $0x0, v6;
	v8, _, _ =	vpop (xrf2)  }
0x9b: {  	v6 =	vadd.f32 v8, v6  }
0x9c: {  	s0 =	sadd.s32 $0xBF0, s0  }
0x9d: {  	vm4 =	vmand vm4, vm3;
	[tilespmem:s0+$0x0] =	vst v6;
	(ifvalue) =	ssetifvalue $0xFFFFFFFF  }
0x9e: {  	vm6 =	veq.s32 v9, $0x1;
	[hbm4b:s1+s16] =	stream.indirect_vreg.scatter [tilespmem:s0], [sflag:$0x2], $0x1, v7, vm0, $0x4038;
	v7 =	vsel vm4, $0x0, v8;
	[tilespmem:$0xF30] =	vst v63  }
0x9f: {  	s29 =	sadd.s32 $0xF10, s22;
	s22 =	sadd.s32 $0x10, s6;
	s2 =	simm.s32 $0x0;
	vm4 =	vmor vm6, vm5;
	v6 =	vsel vm5, v8, v10;
	v7 =	vshift.insert v7, v0, s21  }
.LBB2_7:
0xa0: {  	v8 =	vld [tilespmem:s22+$0x0];
	s30 =	sadd.s32 $0x10, s30  }
0xa1: {  	s31 =	sadd.s32 $0x10, s31;
	v9 =	vld [tilespmem:s30+$0x0]  }
0xa2: {  	s2 =	sadd.s32 $0x10, s2;
	v10 =	vld [tilespmem:s31+$0x0]  }
0xa3: {  	p2 =	slt.u32 s2, $0x180;
	_ =	sdelay $0x2  }
0xa4: {  	v7 =	vadd.f32 v9, v7  }
0xa5: {  	vm5 =	vne.s32 v8, $0xFFFFFFFF  }
0xa6: {  	vm6 =	vmand vm5, vm3;
	(xrf2) =	vadd.seg.scan.f32 vm5, v7;
	_ =	sdelay $0x5  }
0xa7: {  	vm7 =	veq.s32 v8, v5;
	vm5 =	veq.s32 v8, v3  }
0xa8: {  	vm8 =	vgt.u32 v8, $0xFFFFFFFD;
	vm4 =	vmor vm4, vm5;
	vm7 =	vmor vm7, vm5  }
0xa9: {  	vm7 =	vmor vm7, vm8  }
0xaa: {  	v8 =	vsel vm7, $0xFFFFFFFF, v8  }
.Ltmp5:
0xab: {  	v7 =	vsel vm5, $0x0, v10;
	v9, _, _ =	vpop (xrf2);
	(pc) =	sbr.rel @p2 .LBB2_7-.Ltmp5, $4  }
0xac: {  	v6 =	vsel vm5, v9, v6;
	v10 =	vadd.f32 v9, v7;
	v7 =	vsel vm6, $0x0, v9  }
0xad: {  	s0 =	sadd.s32 $0x10, s0;
	v7 =	vshift.insert v7, v0, s21  }
0xae: {  	s22 =	sadd.s32 $0x10, s22;
	[tilespmem:s0+$0x0] =	vst v10;
	(ifvalue) =	ssetifvalue $0xFFFFFFFF  }
0xaf: {  	[hbm4b:s1+s16] =	stream.indirect_vreg.scatter [tilespmem:s0], [sflag:$0x2], $0x1, v8, vm0, $0x4038;
	[tilespmem:$0xF30] =	vst v63  }
0xb0: {  	v3 =	vld [tilespmem:s28+$0xD70];
	_ =	sdelay $0x4  }
0xb1: {  	v3 =	vshift.insert v3, v0, s21  }
0xb2: {  	s0 =	simm.s32 $0x30  }
0xb3: {  	[tilespmem:s0+$0x0] =	vst.msk $0x1, v3  }
0xb4: {  	v3 =	vsel vm4, $0x1, v1;
	[tilespmem:$0x90] =	vst v6  }
0xb5: {  	s0 =	sadd.s32 @!p1 $0xD7F, s28;
	[tilespmem:$0xA0] =	vst v3  }
0xb6: {  	[spmem:s14] =	stream.linear.scatter @!p1 [tilespmem:s0], [sflag:$0x1], $0x1, $0x38;
	[tilespmem:$0xF30] =	vst v63  }
0xb7: {  	s0 =	simm.s32 @!p1 $0x1  }
0xb8: {  	v3 =	vmctz.xlane @!p1 vm4;
	_ =	swait.ge @!p1 [sflag:s0], $0x1  }
0xb9: {  	(v2sf) =	vpush @!p1 v4, $0x0  }
0xba: {  	(v2sf) =	vpush @!p1 v3, $0x0;
	_ =	sdelay $0xd  }
0xbb: {  	s2 =	spop @!p1 (v2sf)  }
0xbc: {  	s6 =	spop @!p1 (v2sf)  }
0xbd: {  	p2 =	sne.s32 @!p1 s26, s2;
	p3 =	slt.s32 @!p1 s6, $0xF  }
0xbe: {  	[sflag:s0] =	ssyncset.done @!p1 $0x0;
	p2 =	por p2, p1;
	p3 =	por !p3, p1  }
0xbf: {  	[sflag:s0] =	ssyncadd.s32 @!p1 $0xFFFFFFFF;
	v3 =	vimm.s32 @!p2 $0xFFFFFFFF;
	s6 =	simm.s32 @p3 $0xF  }
0xc0: {  	[tilespmem:$0x80] =	vst @!p2 v3;
	s2 =	sadd.s32 @!p1 $0x90, s6  }
0xc1: {  	[spmem:s10] =	stream.linear.scatter @!p1 [tilespmem:s2], [sflag:$0x1], $0x1, $0x38;
	[tilespmem:$0xF30] =	vst v63  }
0xc2: {  	_ =	swait.ge @!p1 [sflag:s0], $0x1  }
0xc3: {  	[sflag:s0] =	ssyncset.done @!p1 $0x0  }
0xc4: {  	s2 =	simm.s32 @!p1 $0x80;
	[sflag:s0] =	ssyncadd.s32 @!p1 $0xFFFFFFFF  }
0xc5: {  	[spmem:s15] =	stream.linear.scatter @!p1 [tilespmem:s2], [sflag:$0x1], $0x1, $0x38;
	[tilespmem:$0xF30] =	vst v63  }
0xc6: {  	_ =	swait.ge @!p1 [sflag:s0], $0x1  }
0xc7: {  	[sflag:s0] =	ssyncset.done @!p1 $0x0  }
0xc8: {  	[sflag:s0] =	ssyncadd.s32 @!p1 $0xFFFFFFFF;
	(ifvalue) =	ssetifvalue $0xFFFFFFFF;
	v3 =	vld [tilespmem:s25+$0x10];
	_ =	sdelay $0x3  }
.Ltmp6:
0xc9: {  	_ = 	snop;
	(pc) =	sbr.rel .LBB2_9-.Ltmp6, $3  }
0xca: {  	_ =	sdelay $0x1  }
0xcb: {  	(ifvalue) =	ssetifvalue $0xFFFFFFFF  }
0xcc: {  	[hbm4b:s1+s16] =	stream.indirect_vreg.scatter [tilespmem:s29], [sflag:$0x9], $0x1, v3, vm0, $0x4038;
	[tilespmem:$0xF30] =	vst v63  }
.LBB2_10:
0xcd: {  	_ =	sfence.sel $0x180000  }
0xce: {  	s0 =	simm.s32 $0x7;
	[bflag:$0x0] =	sbarrier.arrive $0xFFFF  }
0xcf: {  	s26 =	simm.s32 $0x8;
	[sflag:s0] =	ssyncpa.u1 $0x1  }
0xd0: {  	s28 =	simm.s32 $0x9;
	[sflag:s26] =	ssyncpa.u1 $0x1  }
0xd1: {  	[sflag:s28] =	ssyncpa.u1 $0x1  }
0xd2: {  	_ =	sfence.stream.spmem  }
0xd3: {  	s29 =	simm.s32 $0x3;
	[bflag:$0x0] =	sbarrier.arrive $0xFFFF  }
0xd4: {  	s30 =	simm.s32 $0x4;
	[sflag:s29] =	ssyncpa.u1 $0x1  }
0xd5: {  	s31 =	simm.s32 $0x3C;
	s2 =	stileid.u32;
	[sflag:s30] =	ssyncpa.u1 $0x1  }
0xd6: {  	p0 =	sne.s32 s2, $0x0;
	[sflag:s31] =	ssyncpa.u1 $0x1  }
0xd7: {  	s0 =	simm.s32 @p0 $0x1;
	_ =	sfence @p0  }
0xd8: {  	[sflag:s0] =	ssyncpa.u1 @p0 $0x1;
	s0 =	simm.s32 @p0 $0x2  }
0xd9: {  	[sflag:s0] =	ssyncpa.u1 @p0 $0x1  }
0xda: {  	_ =	strace @p0 $0x90000047  }
0xdb: {  	[bflag:$0x2] =	sbarrier.arrive @p0 $0xFFFF  }
0xdc: {  	_ =	shalt @p0  }
.LBB2_11:
0xdd: {  	_ =	sfence.stream.spmem;
	s0 =	simm.s32 $0x5  }
0xde: {  	s2 =	simm.s32 $0x80;
	s3 =	simm.s32 $0xC0;
	[sflag:s0] =	ssyncpa.u1 $0x0  }
0xdf: {  	[tilespmem:s3], [sflag:$0x5] =	stream.linear.gather [spmem:s2], $0x20, $0x38;
	[tilespmem:$0xF30] =	vst v63  }
0xe0: {  	s2 =	simm.s32 $0x0;
	s3 =	simm.s32 $0xE0  }
0xe1: {  	[tilespmem:s3], [sflag:$0x5] =	stream.linear.gather [spmem:s2], $0x20, $0x38;
	[tilespmem:$0xF30] =	vst v63  }
.Ltmp7:
0xe2: {  	_ = 	snop;
	(pc) =	sbr.rel .LBB2_12-.Ltmp7, $4  }
0xe3: {  	_ =	swait.ge [sflag:s0], $0x40  }
0xe4: {  	[sflag:s0] =	ssyncset.done $0x0  }
0xe5: {  	s31 =	simm.s32 $0x6;
	[sflag:s0] =	ssyncadd.s32 $0xFFFFFFC0  }
0xe6: {  	s4 =	simm.s32 $0x0;
	[sflag:s31] =	ssyncpa.u1 $0x0  }
.LBB2_17:
0xe7: {  	p0 =	sgt.u32 s5, $0x7F  }
0xe8: {  	s0 =	sshrl.u32 @!p0 s5, $0x3  }
0xe9: {  	s5 =	sand.u32 @!p0 $0x7, s5;
	s6 =	simm.s32 @!p0 $0xB0;
	s0 =	sadd.s32 @!p0 s1, s0  }
0xea: {  	[tilespmem:s6], [sflag:$0x6] =	stream.linear.gather @!p0 [hbm4b:s0+s5], $0x1, $0x38;
	[tilespmem:$0xF30] =	vst v63  }
0xeb: {  	s0 =	simm.s32 @!p0 $0x6  }
0xec: {  	_ =	swait.ge @!p0 [sflag:s0], $0x1  }
0xed: {  	[sflag:s0] =	ssyncset.done @!p0 $0x0  }
0xee: {  	[sflag:s0] =	ssyncadd.s32 @!p0 $0xFFFFFFFF  }
0xef: {  	v2 =	vmov @!p0 s4;
	v1 =	vld.msk @!p0 [tilespmem:$0xB0], $0x1;
	_ =	sdelay $0x3  }
0xf0: {  	s0 =	simm.s32 @!p0 $0xE0  }
0xf1: {  	[tilespmem:v2+s0+$0x0], v1 =	vst.idx.ret.add.f32.msk @!p0 $0x1, v1  }
0xf2: {  	[tilespmem:s2+$0xC0] =	vst.msk $0x1, v0  }
0xf3: {  	v0 =	vld.msk [tilespmem:s4+$0xE0], $0x1;
	_ =	sdelay $0x4  }
0xf4: {  	[tilespmem:s2+$0xE0] =	vst.msk $0x1, v0;
	s2 =	sadd.s32 $0x1, s2  }
.LBB2_19:
0xf5: {  	s4 =	sadd.s32 $0x1, s4  }
0xf6: {  	p0 =	sne.s32 s4, $0x20  }
.Ltmp8:
0xf7: {  	_ = 	snop;
	(pc) =	sbr.rel @!p0 .LBB2_20-.Ltmp8, $1  }
0xf8: {  	_ =	sdelay $0x3  }
.LBB2_12:
0xf9: {  	v0 =	vld.msk [tilespmem:s4+$0xC0], $0x1;
	_ =	sdelay $0x4  }
0xfa: {  	(v2sf) =	vpush v0, $0x0;
	_ =	sdelay $0xe  }
0xfb: {  	s5 =	spop (v2sf)  }
0xfc: {  	p0 =	seq.s32 s5, $0xFFFFFFFF  }
.Ltmp9:
0xfd: {  	_ = 	snop;
	(pc) =	sbr.rel @p0 .LBB2_19-.Ltmp9, $1  }
0xfe: {  	_ =	sdelay $0x3  }
0xff: {  	p0 =	slt.s32 s2, $0x1  }
.Ltmp10:
0x100: {  	_ = 	snop;
	(pc) =	sbr.rel @p0 .LBB2_17-.Ltmp10, $1  }
0x101: {  	_ =	sdelay $0x3  }
0x102: {  	s0 =	simm.s32 $0xC0;
	p0 =	por $0x0, $0x0  }
0x103: {  	v1 =	vld.msk @!p0 [tilespmem:s0+$0x0], $0x1;
	_ =	sdelay $0x4  }
0x104: {  	(v2sf) =	vpush @!p0 v1, $0x0;
	_ =	sdelay $0xd  }
0x105: {  	p2 =	sne.s32 s2, $0x1  }
.Ltmp11:
0x106: {  	s6 =	spop @!p0 (v2sf);
	(pc) =	sbr.rel @!p2 .LBB2_16-.Ltmp11, $4  }
0x107: {  	p1 =	seq.s32 @!p0 s5, s6  }
0x108: {  	s6 =	simm.s32 $0x0;
	p1 =	por !p1, p0  }
0x109: {  	s8 =	simm.s32 $0xFFFFFFFF;
	s6 =	simm.s32 @p1 $0xFFFFFFFF  }
0x10a: {  	s7 =	simm.s32 $0x1;
	s6 =	smov.u32 @p0 s8  }
.LBB2_15:
0x10b: {  	s8 =	smov.u32 s6;
	p0 =	sne.s32 s6, $0xFFFFFFFF  }
0x10c: {  	s0 =	sadd.s32 $0x1, s0;
	s6 =	smov.u32 s7;
	s7 =	sadd.s32 $0x1, s7  }
0x10d: {  	p1 =	sne.s32 s2, s7;
	v1 =	vld.msk @!p0 [tilespmem:s0+$0x0], $0x1;
	_ =	sdelay $0x4  }
0x10e: {  	(v2sf) =	vpush @!p0 v1, $0x0;
	_ =	sdelay $0xe  }
.Ltmp12:
0x10f: {  	s9 =	spop @!p0 (v2sf);
	(pc) =	sbr.rel @p1 .LBB2_15-.Ltmp12, $4  }
0x110: {  	p2 =	seq.s32 @!p0 s5, s9  }
0x111: {  	p2 =	por !p2, p0  }
0x112: {  	s6 =	simm.s32 @p2 $0xFFFFFFFF  }
0x113: {  	s6 =	smov.u32 @p0 s8  }
.LBB2_16:
0x114: {  	p0 =	sne.s32 s6, $0xFFFFFFFF  }
.Ltmp13:
0x115: {  	_ = 	snop;
	(pc) =	sbr.rel @!p0 .LBB2_17-.Ltmp13, $1  }
0x116: {  	_ =	sdelay $0x3  }
0x117: {  	v0 =	vld.msk [tilespmem:s4+$0xE0], $0x1;
	v1 =	vmov s6  }
.Ltmp14:
0x118: {  	_ = 	snop;
	(pc) =	sbr.rel .LBB2_19-.Ltmp14, $2  }
0x119: {  	_ =	sdelay $0x2  }
0x11a: {  	[tilespmem:v1+s3+$0x0], v0 =	vst.idx.ret.add.f32.msk $0x1, v0  }
.LBB2_20:
0x11b: {  	p0 =	slt.s32 s2, $0x1  }
.Ltmp15:
0x11c: {  	_ = 	snop;
	(pc) =	sbr.rel @p0 .LBB2_24-.Ltmp15, $3  }
0x11d: {  	_ =	sdelay $0x1  }
0x11e: {  	s0 =	simm.s32 $0x6  }
0x11f: {  	s3 =	simm.s32 $0x0;
	[sflag:s0] =	ssyncpa.u1 $0x1  }
0x120: {  	s0 =	simm.s32 $0xC0  }
0x121: {  	v0 =	vld.msk [tilespmem:s0+$0x0], $0x1;
	_ =	sdelay $0x4  }
0x122: {  	(v2sf) =	vpush v0, $0x0;
	_ =	sdelay $0xe  }
0x123: {  	s2 =	sadd.s32 $0xFFFFFFFF, s2;
	s4 =	spop (v2sf)  }
0x124: {  	p1 =	sne.s32 s2, $0x0;
	p0 =	sgt.u32 s4, $0x7F  }
.Ltmp16:
0x125: {  	s5 =	sshrl.u32 @!p0 s4, $0x3;
	(pc) =	sbr.rel @!p1 .LBB2_23-.Ltmp16, $4  }
0x126: {  	s0 =	simm.s32 $0xE0;
	s4 =	sand.u32 @!p0 $0x7, s4;
	s5 =	sadd.s32 @!p0 s1, s5  }
0x127: {  	[hbm4b:s5+s4] =	stream.linear.scatter @!p0 [tilespmem:s0], [sflag:$0x5], $0x1, $0x38;
	[tilespmem:$0xF30] =	vst v63  }
0x128: {  	s5 =	simm.s32 $0x0  }
0x129: {  	s4 =	simm.s32 $0xC1;
	s5 =	simm.s32 @!p0 $0x4  }
.LBB2_22:
0x12a: {  	v0 =	vld.msk [tilespmem:s4+$0x0], $0x1;
	s2 =	sadd.s32 $0xFFFFFFFF, s2;
	s3 =	sadd.s32 s3, s5  }
0x12b: {  	p0 =	sne.s32 s2, $0x0;
	_ =	sdelay $0x3  }
0x12c: {  	(v2sf) =	vpush v0, $0x0;
	_ =	sdelay $0xe  }
.Ltmp17:
0x12d: {  	s6 =	spop (v2sf);
	(pc) =	sbr.rel @p0 .LBB2_22-.Ltmp17, $4  }
0x12e: {  	s5 =	simm.s32 $0x0;
	p1 =	sgt.u32 s6, $0x7F  }
0x12f: {  	s0 =	sadd.s32 $0x1, s0;
	s5 =	simm.s32 @!p1 $0x4;
	s7 =	sshrl.u32 @!p1 s6, $0x3  }
0x130: {  	s4 =	sadd.s32 $0x1, s4;
	s6 =	sand.u32 @!p1 $0x7, s6;
	s7 =	sadd.s32 @!p1 s1, s7  }
0x131: {  	[hbm4b:s7+s6] =	stream.linear.scatter @!p1 [tilespmem:s0], [sflag:$0x5], $0x1, $0x38;
	[tilespmem:$0xF30] =	vst v63  }
.LBB2_23:
0x132: {  	s0 =	sadd.s32 s3, s5  }
0x133: {  	s3 =	sshrl.u32 s0, $0x2  }
.LBB2_24:
0x134: {  	s0 =	simm.s32 $0x5  }
0x135: {  	_ =	swait.ge [sflag:s0], s3  }
0x136: {  	s1 =	ssub.s32 $0x0, s3;
	[sflag:s0] =	ssyncset.done $0x0  }
0x137: {  	[sflag:s0] =	ssyncadd.s32 s1  }
0x138: {  	[sflag:s0] =	ssyncpa.u1 $0x1  }
0x139: {  	s29 =	simm.s32 $0x1;
	_ =	sfence  }
0x13a: {  	s30 =	simm.s32 $0x2;
	[sflag:s29] =	ssyncpa.u1 $0x1  }
0x13b: {  	[sflag:s30] =	ssyncpa.u1 $0x1  }
0x13c: {  	_ =	strace $0x90000047  }
0x13d: {  	[bflag:$0x2] =	sbarrier.arrive $0xFFFF  }
0x13e: {  	s31 =	rddreg [dreg:$0x2]  }
0x13f: {  	s0 =	sadd.s32 $0x100000, s31  }
0x140: {  	[sflag:s0] =	ssyncadd.tile.s32 $0x1;
	_ =	shalt  }
.Lfunc_end2:
_tile_overlayer_lowered:
.L_overlay_start_2:
0x141: {  	(tag) =	ssettag $0x2  }
0x142: {  	s0 =	rddreg [dreg:$0x0];
	s2 =	stileid.u32  }
0x143: {  	s1 =	rddreg [dreg:$0x1];
	p0 =	sne.s32 s2, $0x0  }
0x144: {  	s3 =	rddreg [dreg:$0x2];
	[bflag:$0x3] =	sbarrier.arrive $0xFFFF;
	s2 =	simm.s32 @!p0 $0x1C01  }
0x145: {  	[timem:s3], [sflag:s2] =	dma.local @!p0 [hbm:s0], s1  }
0x146: {  	s0 =	simm.s32 @!p0 $0x1  }
0x147: {  	_ =	swait.ge @!p0 [sflag:s0], s1  }
0x148: {  	s1 =	ssub.s32 @!p0 $0x0, s1;
	[sflag:s0] =	ssyncset.done @!p0 $0x0  }
0x149: {  	[sflag:s0] =	ssyncadd.s32 @!p0 s1  }
0x14a: {  	[bflag:$0x3] =	sbarrier.arrive $0xFFFF  }
0x14b: {  	_ =	shalt  }

</sc_bundles>
